<compile_context>
chip_gen: v7x
topology: tpu7x:2x2x1
jax: 0.10.2.dev20260603
libtpu: 0.0.44.dev20260713+nightly
codegen_flags: <defaults>
</compile_context>

<pallas_src>
import functools

import jax
import jax.numpy as jnp
from jax import lax
from jax.experimental import pallas as pl
from jax.experimental.pallas import tpu as pltpu
from jax.experimental.pallas import tpu_sc as plsc

_NC = 2
_NS = 16
_NW = _NC * _NS
_L = 16
_CR = 8
_NBUF = 2


@functools.lru_cache(maxsize=None)
def _build(R, D):
    assert R % (_NW * _CR * _NBUF) == 0 and D % _L == 0
    rows_per_w = R // _NW
    n_chunks = rows_per_w // _CR
    n_rounds = n_chunks // _NBUF
    n_gran = D // _L

    mesh = plsc.VectorSubcoreMesh(core_axis_name="c", subcore_axis_name="s")

    @functools.partial(
        pl.kernel,
        out_type=jax.ShapeDtypeStruct((R, D), jnp.float32),
        mesh=mesh,
        scratch_types=[
            pltpu.VMEM((D,), jnp.int32),
            *([pltpu.VMEM((_CR, D), jnp.float32)] * _NBUF),
            *([pltpu.VMEM((_CR, D), jnp.float32)] * _NBUF),
            *([pltpu.SemaphoreType.DMA] * (2 * _NBUF)),
        ],
        compiler_params=pltpu.CompilerParams(needs_layout_passes=False),
    )
    def permute(in_hbm, idx_hbm, out_hbm, idx_v, *bufs):
        ins = bufs[:_NBUF]
        outs = bufs[_NBUF:2 * _NBUF]
        isems = bufs[2 * _NBUF:3 * _NBUF]
        osems = bufs[3 * _NBUF:]

        wid = lax.axis_index("s") * _NC + lax.axis_index("c")
        base = wid * rows_per_w
        last_row0 = base + (n_chunks - 1) * _CR

        rvecs = [jnp.full((_L,), r, jnp.int32) for r in range(_CR)]

        def in_copy(row0, b):
            return pltpu.make_async_copy(
                in_hbm.at[pl.ds(row0, _CR)], ins[b], isems[b]
            )

        def out_copy(row0, b):
            return pltpu.make_async_copy(
                outs[b], out_hbm.at[pl.ds(row0, _CR)], osems[b]
            )

        for b in range(_NBUF):
            in_copy(base + b * _CR, b).start()
        pltpu.sync_copy(idx_hbm, idx_v)

        @pl.loop(0, n_rounds)
        def round_(t):
            for b in range(_NBUF):
                row0 = base + (t * _NBUF + b) * _CR
                in_copy(row0, b).wait()

                @pl.when(t > 0)
                def _():
                    out_copy(row0, b).wait()

                @plsc.parallel_loop(0, n_gran, unroll=4)
                def gran(j):
                    off = pl.multiple_of(j * _L, _L)
                    vidx = idx_v[pl.ds(off, _L)]
                    for r in range(_CR):
                        vals = plsc.load_gather(ins[b], [rvecs[r], vidx])
                        outs[b][r, pl.ds(off, _L)] = vals

                out_copy(row0, b).start()

                @pl.when(t < n_rounds - 1)
                def _():
                    in_copy(row0 + _NBUF * _CR, b).start()

        for b in range(_NBUF):
            out_copy(last_row0, b).wait()

    return permute


def kernel(inputs, idxs):
    shape = inputs.shape
    D = shape[-1]
    x = inputs.reshape(-1, D)
    out = _build(x.shape[0], D)(x, idxs)
    return out.reshape(shape)

# --- scband reference (transcript-rebuilt; emitter-appended) ---
"""Pipeline reference for scband-permute-27711128994037 (READ-ONLY COPY).

The authoritative reference and input builder live on the scoring server;
editing this copy changes nothing except your own understanding.
"""

import jax, jax.numpy as jnp
import numpy as np

D = 2048

def setup_inputs(seed: int = 0) -> dict:
    key = jax.random.key(seed)
    k1, _ = jax.random.split(key)
    inputs = jax.random.normal(k1, (4, 4096, D), dtype=jnp.float32)
    # mode='reverse': non-trainable int32 'weight' idxs = [D-1, ..., 0]
    idxs = jnp.arange(D - 1, -1, -1, dtype=jnp.int32)
    return {"inputs": inputs, "idxs": idxs}

def reference(inputs, idxs):
    # Faithful translation of Permute.call:
    #   x = permute_dimensions(inputs, reversed axes)
    #   x = gather(x, idxs)  (gather along leading axis == original last axis)
    #   x = permute_dimensions(x, reversed axes)
    num_axis = inputs.ndim
    perm = tuple(range(num_axis))[::-1]
    xt = jnp.transpose(inputs, perm)
    gathered = jnp.take(xt, idxs, axis=0)
    out = jnp.transpose(gathered, perm)
    return out

if __name__ == "__main__":
    import jax
    _d = setup_inputs()
    print(jax.jit(kernel)(*tuple(_d.values())))

</pallas_src>

<mosaic_0001>
#map = affine_map<(d0, d1) -> (0, 0)>
#map1 = affine_map<(d0, d1) -> (0)>
module attributes {stable_mosaic.version = 14 : i64} {
  func.func @permute(%arg0: i32, %arg1: i32, %arg2: memref<16384x2048xf32, #tpu.memory_space<hbm>>, %arg3: memref<2048xi32, #tpu.memory_space<hbm>>, %arg4: memref<16384x2048xf32, #tpu.memory_space<hbm>>, %arg5: memref<2048xi32, #tpu.memory_space<vmem>>, %arg6: memref<8x2048xf32, #tpu.memory_space<vmem>>, %arg7: memref<8x2048xf32, #tpu.memory_space<vmem>>, %arg8: memref<8x2048xf32, #tpu.memory_space<vmem>>, %arg9: memref<8x2048xf32, #tpu.memory_space<vmem>>, %arg10: memref<!tpu.dma_semaphore, #tpu.memory_space<semaphore_mem>>, %arg11: memref<!tpu.dma_semaphore, #tpu.memory_space<semaphore_mem>>, %arg12: memref<!tpu.dma_semaphore, #tpu.memory_space<semaphore_mem>>, %arg13: memref<!tpu.dma_semaphore, #tpu.memory_space<semaphore_mem>>) attributes {dimension_semantics = [#tpu.dimension_semantics<core_parallel>, #tpu.dimension_semantics<subcore_parallel>], iteration_bounds = array<i64: 2, 16>, scalar_prefetch = 0 : i64, scratch_operands = 9 : i64, tpu.core_type = #tpu.core_type<sc_vector_subcore>, window_params = [{transform_indices = #map}, {transform_indices = #map1}, {transform_indices = #map}]} {
    %mul3A = arith.constant 2 : i32
    %mul3A_0 = arith.muli %arg1, %mul3A : i32
    %add3A = arith.addi %mul3A_0, %arg0 : i32
    %mul3A_1 = arith.constant 512 : i32
    %mul3A_2 = arith.muli %add3A, %mul3A_1 : i32
    %add3A_3 = arith.constant 504 : i32
    %add3A_4 = arith.addi %mul3A_2, %add3A_3 : i32
    %broadcast_in_dim3A = arith.constant 0 : i32
    %broadcast_in_dim3A_5 = vector.broadcast %broadcast_in_dim3A : i32 to vector<16xi32>
    %broadcast_in_dim3A_6 = arith.constant 1 : i32
    %broadcast_in_dim3A_7 = vector.broadcast %broadcast_in_dim3A_6 : i32 to vector<16xi32>
    %broadcast_in_dim3A_8 = arith.constant 2 : i32
    %broadcast_in_dim3A_9 = vector.broadcast %broadcast_in_dim3A_8 : i32 to vector<16xi32>
    %broadcast_in_dim3A_10 = arith.constant 3 : i32
    %broadcast_in_dim3A_11 = vector.broadcast %broadcast_in_dim3A_10 : i32 to vector<16xi32>
    %broadcast_in_dim3A_12 = arith.constant 4 : i32
    %broadcast_in_dim3A_13 = vector.broadcast %broadcast_in_dim3A_12 : i32 to vector<16xi32>
    %broadcast_in_dim3A_14 = arith.constant 5 : i32
    %broadcast_in_dim3A_15 = vector.broadcast %broadcast_in_dim3A_14 : i32 to vector<16xi32>
    %broadcast_in_dim3A_16 = arith.constant 6 : i32
    %broadcast_in_dim3A_17 = vector.broadcast %broadcast_in_dim3A_16 : i32 to vector<16xi32>
    %broadcast_in_dim3A_18 = arith.constant 7 : i32
    %broadcast_in_dim3A_19 = vector.broadcast %broadcast_in_dim3A_18 : i32 to vector<16xi32>
    %add3A_20 = arith.constant 0 : i32
    %add3A_21 = arith.addi %mul3A_2, %add3A_20 : i32
    %dma_start3A = arith.constant 0 : i32
    %dma_start3A_22 = tpu.memref_slice %arg2[%add3A_21, %dma_start3A] : memref<16384x2048xf32, #tpu.memory_space<hbm>> -> memref<8x2048xf32, #tpu.memory_space<hbm>>
    %dma_start3A_23 = arith.constant 0 : i32
    %dma_start3A_24 = tpu.memref_slice %arg2[%add3A_21, %dma_start3A_23] : memref<16384x2048xf32, #tpu.memory_space<hbm>> -> memref<8x2048xf32, #tpu.memory_space<hbm>>
    tpu.enqueue_dma source(%dma_start3A_24 : memref<8x2048xf32, #tpu.memory_space<hbm>>) target(%arg6 : memref<8x2048xf32, #tpu.memory_space<vmem>>) target_semaphore(%arg10 : memref<!tpu.dma_semaphore, #tpu.memory_space<semaphore_mem>>)
    %add3A_25 = arith.constant 8 : i32
    %add3A_26 = arith.addi %mul3A_2, %add3A_25 : i32
    %dma_start3A_27 = arith.constant 0 : i32
    %dma_start3A_28 = tpu.memref_slice %arg2[%add3A_26, %dma_start3A_27] : memref<16384x2048xf32, #tpu.memory_space<hbm>> -> memref<8x2048xf32, #tpu.memory_space<hbm>>
    %dma_start3A_29 = arith.constant 0 : i32
    %dma_start3A_30 = tpu.memref_slice %arg2[%add3A_26, %dma_start3A_29] : memref<16384x2048xf32, #tpu.memory_space<hbm>> -> memref<8x2048xf32, #tpu.memory_space<hbm>>
    tpu.enqueue_dma source(%dma_start3A_30 : memref<8x2048xf32, #tpu.memory_space<hbm>>) target(%arg7 : memref<8x2048xf32, #tpu.memory_space<vmem>>) target_semaphore(%arg11 : memref<!tpu.dma_semaphore, #tpu.memory_space<semaphore_mem>>)
    "tpu.region"() ({
      %run_scoped3A = tpu.sem_alloc : memref<!tpu.dma_semaphore, #tpu.memory_space<semaphore_mem>>
      tpu.enqueue_dma source(%arg3 : memref<2048xi32, #tpu.memory_space<hbm>>) target(%arg5 : memref<2048xi32, #tpu.memory_space<vmem>>) target_semaphore(%run_scoped3A : memref<!tpu.dma_semaphore, #tpu.memory_space<semaphore_mem>>)
      tpu.wait_dma2 semaphore(%run_scoped3A : memref<!tpu.dma_semaphore, #tpu.memory_space<semaphore_mem>>) src(%arg3 : memref<2048xi32, #tpu.memory_space<hbm>>) dst(%arg5 : memref<2048xi32, #tpu.memory_space<vmem>>)
      tpu.yield
    }) : () -> ()
    %scan3A = arith.constant 0 : i32
    %scan3A_31 = arith.constant 32 : i32
    %scan3A_32 = arith.addi %scan3A, %scan3A_31 : i32
    %scan3A_33 = arith.constant 1 : i32
    scf.for %scan3A_42 = %scan3A to %scan3A_32 step %scan3A_33  : i32 {
      %mul3A_43 = arith.constant 1 : i32
      %mul3A_44 = arith.muli %scan3A_42, %mul3A_43 : i32
      %add3A_45 = arith.constant 0 : i32
      %add3A_46 = arith.addi %add3A_45, %mul3A_44 : i32
      %mul3A_47 = arith.constant 2 : i32
      %mul3A_48 = arith.muli %add3A_46, %mul3A_47 : i32
      %add3A_49 = arith.constant 0 : i32
      %add3A_50 = arith.addi %mul3A_48, %add3A_49 : i32
      %mul3A_51 = arith.constant 8 : i32
      %mul3A_52 = arith.muli %add3A_50, %mul3A_51 : i32
      %add3A_53 = arith.addi %mul3A_2, %mul3A_52 : i32
      %dma_wait3A_54 = arith.constant 0 : i32
      %dma_wait3A_55 = tpu.memref_slice %arg2[%add3A_53, %dma_wait3A_54] : memref<16384x2048xf32, #tpu.memory_space<hbm>> -> memref<8x2048xf32, #tpu.memory_space<hbm>>
      %dma_wait3A_56 = arith.constant 0 : i32
      %dma_wait3A_57 = tpu.memref_slice %arg2[%add3A_53, %dma_wait3A_56] : memref<16384x2048xf32, #tpu.memory_space<hbm>> -> memref<8x2048xf32, #tpu.memory_space<hbm>>
      tpu.wait_dma2 semaphore(%arg10 : memref<!tpu.dma_semaphore, #tpu.memory_space<semaphore_mem>>) src(%dma_wait3A_57 : memref<8x2048xf32, #tpu.memory_space<hbm>>) dst(%arg6 : memref<8x2048xf32, #tpu.memory_space<vmem>>)
      %gt3A = arith.constant 0 : i32
      %gt3A_58 = arith.cmpi sgt, %add3A_46, %gt3A : i32
      %convert_element_type3A = arith.extui %gt3A_58 : i1 to i32
      %cond3A = arith.constant 0 : i32
      %cond3A_59 = arith.cmpi ne, %convert_element_type3A, %cond3A : i32
      scf.if %cond3A_59 {
        %dma_wait3A_98 = arith.constant 0 : i32
        %dma_wait3A_99 = tpu.memref_slice %arg4[%add3A_53, %dma_wait3A_98] : memref<16384x2048xf32, #tpu.memory_space<hbm>> -> memref<8x2048xf32, #tpu.memory_space<hbm>>
        %dma_wait3A_100 = arith.constant 0 : i32
        %dma_wait3A_101 = tpu.memref_slice %arg4[%add3A_53, %dma_wait3A_100] : memref<16384x2048xf32, #tpu.memory_space<hbm>> -> memref<8x2048xf32, #tpu.memory_space<hbm>>
        tpu.wait_dma2 semaphore(%arg12 : memref<!tpu.dma_semaphore, #tpu.memory_space<semaphore_mem>>) src(%arg8 : memref<8x2048xf32, #tpu.memory_space<vmem>>) dst(%dma_wait3A_101 : memref<8x2048xf32, #tpu.memory_space<hbm>>)
      } else {
      }
      %parallel_loop3A = arith.constant 0 : i32
      %parallel_loop3A_60 = arith.constant 128 : i32
      %parallel_loop3A_61 = arith.constant 1 : i32
      scf.for %parallel_loop3A_98 = %parallel_loop3A to %parallel_loop3A_60 step %parallel_loop3A_61  : i32 {
        %parallel_loop3A_99 = arith.constant 16 : i32
        %parallel_loop3A_100 = arith.muli %parallel_loop3A_98, %parallel_loop3A_99 : i32
        %parallel_loop3A_101 = tpu.assume_multiple %parallel_loop3A_100, 16 : i32
        %parallel_loop3A_102 = arith.index_cast %parallel_loop3A_101 : i32 to index
        %parallel_loop3A_103 = tpu.vector_load %arg5[%parallel_loop3A_102] {strides = array<i32>} : memref<2048xi32, #tpu.memory_space<vmem>>, vector<16xi32>,
        %parallel_loop3A_104 = tpu.vector_load_idx %arg6[%broadcast_in_dim3A_5, %parallel_loop3A_103] : memref<8x2048xf32, #tpu.memory_space<vmem>>[vector<16xi32>, vector<16xi32>], vector<16xf32>,
        %parallel_loop3A_105 = arith.constant 0 : i32
        %parallel_loop3A_106 = arith.index_cast %parallel_loop3A_105 : i32 to index
        %parallel_loop3A_107 = arith.index_cast %parallel_loop3A_101 : i32 to index
        %parallel_loop3A_108 = tpu.vector_load %arg8[%parallel_loop3A_106, %parallel_loop3A_107] {strides = array<i32>} : memref<8x2048xf32, #tpu.memory_space<vmem>>, vector<16xf32>,
        tpu.vector_store %arg8[%parallel_loop3A_106, %parallel_loop3A_107], %parallel_loop3A_104 {strides = array<i32>} : memref<8x2048xf32, #tpu.memory_space<vmem>>, vector<16xf32>,
        %parallel_loop3A_109 = tpu.vector_load_idx %arg6[%broadcast_in_dim3A_7, %parallel_loop3A_103] : memref<8x2048xf32, #tpu.memory_space<vmem>>[vector<16xi32>, vector<16xi32>], vector<16xf32>,
        %parallel_loop3A_110 = arith.constant 1 : i32
        %parallel_loop3A_111 = arith.index_cast %parallel_loop3A_110 : i32 to index
        %parallel_loop3A_112 = arith.index_cast %parallel_loop3A_101 : i32 to index
        %parallel_loop3A_113 = tpu.vector_load %arg8[%parallel_loop3A_111, %parallel_loop3A_112] {strides = array<i32>} : memref<8x2048xf32, #tpu.memory_space<vmem>>, vector<16xf32>,
        tpu.vector_store %arg8[%parallel_loop3A_111, %parallel_loop3A_112], %parallel_loop3A_109 {strides = array<i32>} : memref<8x2048xf32, #tpu.memory_space<vmem>>, vector<16xf32>,
        %parallel_loop3A_114 = tpu.vector_load_idx %arg6[%broadcast_in_dim3A_9, %parallel_loop3A_103] : memref<8x2048xf32, #tpu.memory_space<vmem>>[vector<16xi32>, vector<16xi32>], vector<16xf32>,
        %parallel_loop3A_115 = arith.constant 2 : i32
        %parallel_loop3A_116 = arith.index_cast %parallel_loop3A_115 : i32 to index
        %parallel_loop3A_117 = arith.index_cast %parallel_loop3A_101 : i32 to index
        %parallel_loop3A_118 = tpu.vector_load %arg8[%parallel_loop3A_116, %parallel_loop3A_117] {strides = array<i32>} : memref<8x2048xf32, #tpu.memory_space<vmem>>, vector<16xf32>,
        tpu.vector_store %arg8[%parallel_loop3A_116, %parallel_loop3A_117], %parallel_loop3A_114 {strides = array<i32>} : memref<8x2048xf32, #tpu.memory_space<vmem>>, vector<16xf32>,
        %parallel_loop3A_119 = tpu.vector_load_idx %arg6[%broadcast_in_dim3A_11, %parallel_loop3A_103] : memref<8x2048xf32, #tpu.memory_space<vmem>>[vector<16xi32>, vector<16xi32>], vector<16xf32>,
        %parallel_loop3A_120 = arith.constant 3 : i32
        %parallel_loop3A_121 = arith.index_cast %parallel_loop3A_120 : i32 to index
        %parallel_loop3A_122 = arith.index_cast %parallel_loop3A_101 : i32 to index
        %parallel_loop3A_123 = tpu.vector_load %arg8[%parallel_loop3A_121, %parallel_loop3A_122] {strides = array<i32>} : memref<8x2048xf32, #tpu.memory_space<vmem>>, vector<16xf32>,
        tpu.vector_store %arg8[%parallel_loop3A_121, %parallel_loop3A_122], %parallel_loop3A_119 {strides = array<i32>} : memref<8x2048xf32, #tpu.memory_space<vmem>>, vector<16xf32>,
        %parallel_loop3A_124 = tpu.vector_load_idx %arg6[%broadcast_in_dim3A_13, %parallel_loop3A_103] : memref<8x2048xf32, #tpu.memory_space<vmem>>[vector<16xi32>, vector<16xi32>], vector<16xf32>,
        %parallel_loop3A_125 = arith.constant 4 : i32
        %parallel_loop3A_126 = arith.index_cast %parallel_loop3A_125 : i32 to index
        %parallel_loop3A_127 = arith.index_cast %parallel_loop3A_101 : i32 to index
        %parallel_loop3A_128 = tpu.vector_load %arg8[%parallel_loop3A_126, %parallel_loop3A_127] {strides = array<i32>} : memref<8x2048xf32, #tpu.memory_space<vmem>>, vector<16xf32>,
        tpu.vector_store %arg8[%parallel_loop3A_126, %parallel_loop3A_127], %parallel_loop3A_124 {strides = array<i32>} : memref<8x2048xf32, #tpu.memory_space<vmem>>, vector<16xf32>,
        %parallel_loop3A_129 = tpu.vector_load_idx %arg6[%broadcast_in_dim3A_15, %parallel_loop3A_103] : memref<8x2048xf32, #tpu.memory_space<vmem>>[vector<16xi32>, vector<16xi32>], vector<16xf32>,
        %parallel_loop3A_130 = arith.constant 5 : i32
        %parallel_loop3A_131 = arith.index_cast %parallel_loop3A_130 : i32 to index
        %parallel_loop3A_132 = arith.index_cast %parallel_loop3A_101 : i32 to index
        %parallel_loop3A_133 = tpu.vector_load %arg8[%parallel_loop3A_131, %parallel_loop3A_132] {strides = array<i32>} : memref<8x2048xf32, #tpu.memory_space<vmem>>, vector<16xf32>,
        tpu.vector_store %arg8[%parallel_loop3A_131, %parallel_loop3A_132], %parallel_loop3A_129 {strides = array<i32>} : memref<8x2048xf32, #tpu.memory_space<vmem>>, vector<16xf32>,
        %parallel_loop3A_134 = tpu.vector_load_idx %arg6[%broadcast_in_dim3A_17, %parallel_loop3A_103] : memref<8x2048xf32, #tpu.memory_space<vmem>>[vector<16xi32>, vector<16xi32>], vector<16xf32>,
        %parallel_loop3A_135 = arith.constant 6 : i32
        %parallel_loop3A_136 = arith.index_cast %parallel_loop3A_135 : i32 to index
        %parallel_loop3A_137 = arith.index_cast %parallel_loop3A_101 : i32 to index
        %parallel_loop3A_138 = tpu.vector_load %arg8[%parallel_loop3A_136, %parallel_loop3A_137] {strides = array<i32>} : memref<8x2048xf32, #tpu.memory_space<vmem>>, vector<16xf32>,
        tpu.vector_store %arg8[%parallel_loop3A_136, %parallel_loop3A_137], %parallel_loop3A_134 {strides = array<i32>} : memref<8x2048xf32, #tpu.memory_space<vmem>>, vector<16xf32>,
        %parallel_loop3A_139 = tpu.vector_load_idx %arg6[%broadcast_in_dim3A_19, %parallel_loop3A_103] : memref<8x2048xf32, #tpu.memory_space<vmem>>[vector<16xi32>, vector<16xi32>], vector<16xf32>,
        %parallel_loop3A_140 = arith.constant 7 : i32
        %parallel_loop3A_141 = arith.index_cast %parallel_loop3A_140 : i32 to index
        %parallel_loop3A_142 = arith.index_cast %parallel_loop3A_101 : i32 to index
        %parallel_loop3A_143 = tpu.vector_load %arg8[%parallel_loop3A_141, %parallel_loop3A_142] {strides = array<i32>} : memref<8x2048xf32, #tpu.memory_space<vmem>>, vector<16xf32>,
        tpu.vector_store %arg8[%parallel_loop3A_141, %parallel_loop3A_142], %parallel_loop3A_139 {strides = array<i32>} : memref<8x2048xf32, #tpu.memory_space<vmem>>, vector<16xf32>,
      } {sc.loop_unroll_factor = 4 : i64, sc.parallel_access}
      %dma_start3A_62 = arith.constant 0 : i32
      %dma_start3A_63 = tpu.memref_slice %arg4[%add3A_53, %dma_start3A_62] : memref<16384x2048xf32, #tpu.memory_space<hbm>> -> memref<8x2048xf32, #tpu.memory_space<hbm>>
      %dma_start3A_64 = arith.constant 0 : i32
      %dma_start3A_65 = tpu.memref_slice %arg4[%add3A_53, %dma_start3A_64] : memref<16384x2048xf32, #tpu.memory_space<hbm>> -> memref<8x2048xf32, #tpu.memory_space<hbm>>
      tpu.enqueue_dma source(%arg8 : memref<8x2048xf32, #tpu.memory_space<vmem>>) target(%dma_start3A_65 : memref<8x2048xf32, #tpu.memory_space<hbm>>) target_semaphore(%arg12 : memref<!tpu.dma_semaphore, #tpu.memory_space<semaphore_mem>>)
      %lt3A = arith.constant 31 : i32
      %lt3A_66 = arith.cmpi slt, %add3A_46, %lt3A : i32
      %convert_element_type3A_67 = arith.extui %lt3A_66 : i1 to i32
      %cond3A_68 = arith.constant 0 : i32
      %cond3A_69 = arith.cmpi ne, %convert_element_type3A_67, %cond3A_68 : i32
      scf.if %cond3A_69 {
        %add3A_98 = arith.constant 16 : i32
        %add3A_99 = arith.addi %add3A_53, %add3A_98 : i32
        %dma_start3A_100 = arith.constant 0 : i32
        %dma_start3A_101 = tpu.memref_slice %arg2[%add3A_99, %dma_start3A_100] : memref<16384x2048xf32, #tpu.memory_space<hbm>> -> memref<8x2048xf32, #tpu.memory_space<hbm>>
        %dma_start3A_102 = arith.constant 0 : i32
        %dma_start3A_103 = tpu.memref_slice %arg2[%add3A_99, %dma_start3A_102] : memref<16384x2048xf32, #tpu.memory_space<hbm>> -> memref<8x2048xf32, #tpu.memory_space<hbm>>
        tpu.enqueue_dma source(%dma_start3A_103 : memref<8x2048xf32, #tpu.memory_space<hbm>>) target(%arg6 : memref<8x2048xf32, #tpu.memory_space<vmem>>) target_semaphore(%arg10 : memref<!tpu.dma_semaphore, #tpu.memory_space<semaphore_mem>>)
      } else {
      }
      %mul3A_70 = arith.constant 2 : i32
      %mul3A_71 = arith.muli %add3A_46, %mul3A_70 : i32
      %add3A_72 = arith.constant 1 : i32
      %add3A_73 = arith.addi %mul3A_71, %add3A_72 : i32
      %mul3A_74 = arith.constant 8 : i32
      %mul3A_75 = arith.muli %add3A_73, %mul3A_74 : i32
      %add3A_76 = arith.addi %mul3A_2, %mul3A_75 : i32
      %dma_wait3A_77 = arith.constant 0 : i32
      %dma_wait3A_78 = tpu.memref_slice %arg2[%add3A_76, %dma_wait3A_77] : memref<16384x2048xf32, #tpu.memory_space<hbm>> -> memref<8x2048xf32, #tpu.memory_space<hbm>>
      %dma_wait3A_79 = arith.constant 0 : i32
      %dma_wait3A_80 = tpu.memref_slice %arg2[%add3A_76, %dma_wait3A_79] : memref<16384x2048xf32, #tpu.memory_space<hbm>> -> memref<8x2048xf32, #tpu.memory_space<hbm>>
      tpu.wait_dma2 semaphore(%arg11 : memref<!tpu.dma_semaphore, #tpu.memory_space<semaphore_mem>>) src(%dma_wait3A_80 : memref<8x2048xf32, #tpu.memory_space<hbm>>) dst(%arg7 : memref<8x2048xf32, #tpu.memory_space<vmem>>)
      %gt3A_81 = arith.constant 0 : i32
      %gt3A_82 = arith.cmpi sgt, %add3A_46, %gt3A_81 : i32
      %convert_element_type3A_83 = arith.extui %gt3A_82 : i1 to i32
      %cond3A_84 = arith.constant 0 : i32
      %cond3A_85 = arith.cmpi ne, %convert_element_type3A_83, %cond3A_84 : i32
      scf.if %cond3A_85 {
        %dma_wait3A_98 = arith.constant 0 : i32
        %dma_wait3A_99 = tpu.memref_slice %arg4[%add3A_76, %dma_wait3A_98] : memref<16384x2048xf32, #tpu.memory_space<hbm>> -> memref<8x2048xf32, #tpu.memory_space<hbm>>
        %dma_wait3A_100 = arith.constant 0 : i32
        %dma_wait3A_101 = tpu.memref_slice %arg4[%add3A_76, %dma_wait3A_100] : memref<16384x2048xf32, #tpu.memory_space<hbm>> -> memref<8x2048xf32, #tpu.memory_space<hbm>>
        tpu.wait_dma2 semaphore(%arg13 : memref<!tpu.dma_semaphore, #tpu.memory_space<semaphore_mem>>) src(%arg9 : memref<8x2048xf32, #tpu.memory_space<vmem>>) dst(%dma_wait3A_101 : memref<8x2048xf32, #tpu.memory_space<hbm>>)
      } else {
      }
      %parallel_loop3A_86 = arith.constant 0 : i32
      %parallel_loop3A_87 = arith.constant 128 : i32
      %parallel_loop3A_88 = arith.constant 1 : i32
      scf.for %parallel_loop3A_98 = %parallel_loop3A_86 to %parallel_loop3A_87 step %parallel_loop3A_88  : i32 {
        %parallel_loop3A_99 = arith.constant 16 : i32
        %parallel_loop3A_100 = arith.muli %parallel_loop3A_98, %parallel_loop3A_99 : i32
        %parallel_loop3A_101 = tpu.assume_multiple %parallel_loop3A_100, 16 : i32
        %parallel_loop3A_102 = arith.index_cast %parallel_loop3A_101 : i32 to index
        %parallel_loop3A_103 = tpu.vector_load %arg5[%parallel_loop3A_102] {strides = array<i32>} : memref<2048xi32, #tpu.memory_space<vmem>>, vector<16xi32>,
        %parallel_loop3A_104 = tpu.vector_load_idx %arg7[%broadcast_in_dim3A_5, %parallel_loop3A_103] : memref<8x2048xf32, #tpu.memory_space<vmem>>[vector<16xi32>, vector<16xi32>], vector<16xf32>,
        %parallel_loop3A_105 = arith.constant 0 : i32
        %parallel_loop3A_106 = arith.index_cast %parallel_loop3A_105 : i32 to index
        %parallel_loop3A_107 = arith.index_cast %parallel_loop3A_101 : i32 to index
        %parallel_loop3A_108 = tpu.vector_load %arg9[%parallel_loop3A_106, %parallel_loop3A_107] {strides = array<i32>} : memref<8x2048xf32, #tpu.memory_space<vmem>>, vector<16xf32>,
        tpu.vector_store %arg9[%parallel_loop3A_106, %parallel_loop3A_107], %parallel_loop3A_104 {strides = array<i32>} : memref<8x2048xf32, #tpu.memory_space<vmem>>, vector<16xf32>,
        %parallel_loop3A_109 = tpu.vector_load_idx %arg7[%broadcast_in_dim3A_7, %parallel_loop3A_103] : memref<8x2048xf32, #tpu.memory_space<vmem>>[vector<16xi32>, vector<16xi32>], vector<16xf32>,
        %parallel_loop3A_110 = arith.constant 1 : i32
        %parallel_loop3A_111 = arith.index_cast %parallel_loop3A_110 : i32 to index
        %parallel_loop3A_112 = arith.index_cast %parallel_loop3A_101 : i32 to index
        %parallel_loop3A_113 = tpu.vector_load %arg9[%parallel_loop3A_111, %parallel_loop3A_112] {strides = array<i32>} : memref<8x2048xf32, #tpu.memory_space<vmem>>, vector<16xf32>,
        tpu.vector_store %arg9[%parallel_loop3A_111, %parallel_loop3A_112], %parallel_loop3A_109 {strides = array<i32>} : memref<8x2048xf32, #tpu.memory_space<vmem>>, vector<16xf32>,
        %parallel_loop3A_114 = tpu.vector_load_idx %arg7[%broadcast_in_dim3A_9, %parallel_loop3A_103] : memref<8x2048xf32, #tpu.memory_space<vmem>>[vector<16xi32>, vector<16xi32>], vector<16xf32>,
        %parallel_loop3A_115 = arith.constant 2 : i32
        %parallel_loop3A_116 = arith.index_cast %parallel_loop3A_115 : i32 to index
        %parallel_loop3A_117 = arith.index_cast %parallel_loop3A_101 : i32 to index
        %parallel_loop3A_118 = tpu.vector_load %arg9[%parallel_loop3A_116, %parallel_loop3A_117] {strides = array<i32>} : memref<8x2048xf32, #tpu.memory_space<vmem>>, vector<16xf32>,
        tpu.vector_store %arg9[%parallel_loop3A_116, %parallel_loop3A_117], %parallel_loop3A_114 {strides = array<i32>} : memref<8x2048xf32, #tpu.memory_space<vmem>>, vector<16xf32>,
        %parallel_loop3A_119 = tpu.vector_load_idx %arg7[%broadcast_in_dim3A_11, %parallel_loop3A_103] : memref<8x2048xf32, #tpu.memory_space<vmem>>[vector<16xi32>, vector<16xi32>], vector<16xf32>,
        %parallel_loop3A_120 = arith.constant 3 : i32
        %parallel_loop3A_121 = arith.index_cast %parallel_loop3A_120 : i32 to index
        %parallel_loop3A_122 = arith.index_cast %parallel_loop3A_101 : i32 to index
        %parallel_loop3A_123 = tpu.vector_load %arg9[%parallel_loop3A_121, %parallel_loop3A_122] {strides = array<i32>} : memref<8x2048xf32, #tpu.memory_space<vmem>>, vector<16xf32>,
        tpu.vector_store %arg9[%parallel_loop3A_121, %parallel_loop3A_122], %parallel_loop3A_119 {strides = array<i32>} : memref<8x2048xf32, #tpu.memory_space<vmem>>, vector<16xf32>,
        %parallel_loop3A_124 = tpu.vector_load_idx %arg7[%broadcast_in_dim3A_13, %parallel_loop3A_103] : memref<8x2048xf32, #tpu.memory_space<vmem>>[vector<16xi32>, vector<16xi32>], vector<16xf32>,
        %parallel_loop3A_125 = arith.constant 4 : i32
        %parallel_loop3A_126 = arith.index_cast %parallel_loop3A_125 : i32 to index
        %parallel_loop3A_127 = arith.index_cast %parallel_loop3A_101 : i32 to index
        %parallel_loop3A_128 = tpu.vector_load %arg9[%parallel_loop3A_126, %parallel_loop3A_127] {strides = array<i32>} : memref<8x2048xf32, #tpu.memory_space<vmem>>, vector<16xf32>,
        tpu.vector_store %arg9[%parallel_loop3A_126, %parallel_loop3A_127], %parallel_loop3A_124 {strides = array<i32>} : memref<8x2048xf32, #tpu.memory_space<vmem>>, vector<16xf32>,
        %parallel_loop3A_129 = tpu.vector_load_idx %arg7[%broadcast_in_dim3A_15, %parallel_loop3A_103] : memref<8x2048xf32, #tpu.memory_space<vmem>>[vector<16xi32>, vector<16xi32>], vector<16xf32>,
        %parallel_loop3A_130 = arith.constant 5 : i32
        %parallel_loop3A_131 = arith.index_cast %parallel_loop3A_130 : i32 to index
        %parallel_loop3A_132 = arith.index_cast %parallel_loop3A_101 : i32 to index
        %parallel_loop3A_133 = tpu.vector_load %arg9[%parallel_loop3A_131, %parallel_loop3A_132] {strides = array<i32>} : memref<8x2048xf32, #tpu.memory_space<vmem>>, vector<16xf32>,
        tpu.vector_store %arg9[%parallel_loop3A_131, %parallel_loop3A_132], %parallel_loop3A_129 {strides = array<i32>} : memref<8x2048xf32, #tpu.memory_space<vmem>>, vector<16xf32>,
        %parallel_loop3A_134 = tpu.vector_load_idx %arg7[%broadcast_in_dim3A_17, %parallel_loop3A_103] : memref<8x2048xf32, #tpu.memory_space<vmem>>[vector<16xi32>, vector<16xi32>], vector<16xf32>,
        %parallel_loop3A_135 = arith.constant 6 : i32
        %parallel_loop3A_136 = arith.index_cast %parallel_loop3A_135 : i32 to index
        %parallel_loop3A_137 = arith.index_cast %parallel_loop3A_101 : i32 to index
        %parallel_loop3A_138 = tpu.vector_load %arg9[%parallel_loop3A_136, %parallel_loop3A_137] {strides = array<i32>} : memref<8x2048xf32, #tpu.memory_space<vmem>>, vector<16xf32>,
        tpu.vector_store %arg9[%parallel_loop3A_136, %parallel_loop3A_137], %parallel_loop3A_134 {strides = array<i32>} : memref<8x2048xf32, #tpu.memory_space<vmem>>, vector<16xf32>,
        %parallel_loop3A_139 = tpu.vector_load_idx %arg7[%broadcast_in_dim3A_19, %parallel_loop3A_103] : memref<8x2048xf32, #tpu.memory_space<vmem>>[vector<16xi32>, vector<16xi32>], vector<16xf32>,
        %parallel_loop3A_140 = arith.constant 7 : i32
        %parallel_loop3A_141 = arith.index_cast %parallel_loop3A_140 : i32 to index
        %parallel_loop3A_142 = arith.index_cast %parallel_loop3A_101 : i32 to index
        %parallel_loop3A_143 = tpu.vector_load %arg9[%parallel_loop3A_141, %parallel_loop3A_142] {strides = array<i32>} : memref<8x2048xf32, #tpu.memory_space<vmem>>, vector<16xf32>,
        tpu.vector_store %arg9[%parallel_loop3A_141, %parallel_loop3A_142], %parallel_loop3A_139 {strides = array<i32>} : memref<8x2048xf32, #tpu.memory_space<vmem>>, vector<16xf32>,
      } {sc.loop_unroll_factor = 4 : i64, sc.parallel_access}
      %dma_start3A_89 = arith.constant 0 : i32
      %dma_start3A_90 = tpu.memref_slice %arg4[%add3A_76, %dma_start3A_89] : memref<16384x2048xf32, #tpu.memory_space<hbm>> -> memref<8x2048xf32, #tpu.memory_space<hbm>>
      %dma_start3A_91 = arith.constant 0 : i32
      %dma_start3A_92 = tpu.memref_slice %arg4[%add3A_76, %dma_start3A_91] : memref<16384x2048xf32, #tpu.memory_space<hbm>> -> memref<8x2048xf32, #tpu.memory_space<hbm>>
      tpu.enqueue_dma source(%arg9 : memref<8x2048xf32, #tpu.memory_space<vmem>>) target(%dma_start3A_92 : memref<8x2048xf32, #tpu.memory_space<hbm>>) target_semaphore(%arg13 : memref<!tpu.dma_semaphore, #tpu.memory_space<semaphore_mem>>)
      %lt3A_93 = arith.constant 31 : i32
      %lt3A_94 = arith.cmpi slt, %add3A_46, %lt3A_93 : i32
      %convert_element_type3A_95 = arith.extui %lt3A_94 : i1 to i32
      %cond3A_96 = arith.constant 0 : i32
      %cond3A_97 = arith.cmpi ne, %convert_element_type3A_95, %cond3A_96 : i32
      scf.if %cond3A_97 {
        %add3A_98 = arith.constant 16 : i32
        %add3A_99 = arith.addi %add3A_76, %add3A_98 : i32
        %dma_start3A_100 = arith.constant 0 : i32
        %dma_start3A_101 = tpu.memref_slice %arg2[%add3A_99, %dma_start3A_100] : memref<16384x2048xf32, #tpu.memory_space<hbm>> -> memref<8x2048xf32, #tpu.memory_space<hbm>>
        %dma_start3A_102 = arith.constant 0 : i32
        %dma_start3A_103 = tpu.memref_slice %arg2[%add3A_99, %dma_start3A_102] : memref<16384x2048xf32, #tpu.memory_space<hbm>> -> memref<8x2048xf32, #tpu.memory_space<hbm>>
        tpu.enqueue_dma source(%dma_start3A_103 : memref<8x2048xf32, #tpu.memory_space<hbm>>) target(%arg7 : memref<8x2048xf32, #tpu.memory_space<vmem>>) target_semaphore(%arg11 : memref<!tpu.dma_semaphore, #tpu.memory_space<semaphore_mem>>)
      } else {
      }
    }
    %scan3A_34 = arith.constant 32 : i32
    %dma_wait3A = arith.constant 0 : i32
    %dma_wait3A_35 = tpu.memref_slice %arg4[%add3A_4, %dma_wait3A] : memref<16384x2048xf32, #tpu.memory_space<hbm>> -> memref<8x2048xf32, #tpu.memory_space<hbm>>
    %dma_wait3A_36 = arith.constant 0 : i32
    %dma_wait3A_37 = tpu.memref_slice %arg4[%add3A_4, %dma_wait3A_36] : memref<16384x2048xf32, #tpu.memory_space<hbm>> -> memref<8x2048xf32, #tpu.memory_space<hbm>>
    tpu.wait_dma2 semaphore(%arg12 : memref<!tpu.dma_semaphore, #tpu.memory_space<semaphore_mem>>) src(%arg8 : memref<8x2048xf32, #tpu.memory_space<vmem>>) dst(%dma_wait3A_37 : memref<8x2048xf32, #tpu.memory_space<hbm>>)
    %dma_wait3A_38 = arith.constant 0 : i32
    %dma_wait3A_39 = tpu.memref_slice %arg4[%add3A_4, %dma_wait3A_38] : memref<16384x2048xf32, #tpu.memory_space<hbm>> -> memref<8x2048xf32, #tpu.memory_space<hbm>>
    %dma_wait3A_40 = arith.constant 0 : i32
    %dma_wait3A_41 = tpu.memref_slice %arg4[%add3A_4, %dma_wait3A_40] : memref<16384x2048xf32, #tpu.memory_space<hbm>> -> memref<8x2048xf32, #tpu.memory_space<hbm>>
    tpu.wait_dma2 semaphore(%arg13 : memref<!tpu.dma_semaphore, #tpu.memory_space<semaphore_mem>>) src(%arg9 : memref<8x2048xf32, #tpu.memory_space<vmem>>) dst(%dma_wait3A_41 : memref<8x2048xf32, #tpu.memory_space<hbm>>)
    return
  }
}

</mosaic_0001>

<sc_bundles>
// kernel: kernel.3.cloned.1.call-start
scs
__scs_entry_jumppad:
0x0: {  	(pc) =	sbr.rel $0x88, $3  }
0x1: {  	(tag) =	ssettag $0x0;
	lr =	simm.s32 $0x1  }
0x2: {  	[smem:$0x3F9F] =	sst lr;
	_ =	strace $0xD0000000  }
0x3: {  	_ = 	snop  }
0x4: {  	_ = 	snop  }
0x5: {  	_ = 	snop  }
0x6: {  	_ = 	snop  }
0x7: {  	_ = 	snop  }
__scs_overlays_trampoline_lowered:
0x8: {  	[smem:$0x3FAE] =	sst s0  }
0x9: {  	[smem:$0x3FAF] =	sst s1  }
0xa: {  	[smem:$0x3FB0] =	sst s2  }
0xb: {  	[smem:$0x3FB1] =	sst s3  }
0xc: {  	[smem:$0x3FB2] =	sst s4  }
0xd: {  	[smem:$0x3FB3] =	sst s5  }
0xe: {  	[smem:$0x3FB4] =	sst s6  }
0xf: {  	[smem:$0x3FB5] =	sst s7  }
0x10: {  	[smem:$0x3FB6] =	sst s8  }
0x11: {  	[smem:$0x3FB7] =	sst s9;
	s0 =	simm.s32 @!p0 $0x0  }
0x12: {  	s1 =	sld [smem:$0x3F9D];
	s0 =	simm.s32 @p0 $0x1  }
0x13: {  	[smem:$0x3FB8] =	sst s0;
	s0 =	simm.s32 @!p1 $0x0  }
0x14: {  	s2 =	sld [smem:$0x3F9C];
	s0 =	simm.s32 @p1 $0x1  }
0x15: {  	[smem:$0x3FB9] =	sst s0;
	s0 =	simm.s32 @!p2 $0x0  }
0x16: {  	s3 =	sld [smem:$0x3FDB];
	s0 =	simm.s32 @p2 $0x1  }
0x17: {  	s4 =	simm.s32 $0x1BF5;
	[smem:$0x3FBB] =	sst s0  }
0x18: {  	s0 =	sld [smem:$0x3F9E];
	_ =	swait.ge [sflag:s4], $0x0  }
0x19: {  	s7 =	sld [smem:$0x3F9F]  }
0x1a: {  	s8 =	sadd.s32 $0xFFFFE003, lr  }
0x1b: {  	s9 =	sadd.s32 $0xFFFFFEF7, lr;
	s5 =	simm.s32 $0xFFFFFFFF;
	p2 =	slt.u32 s8, $0xFFFFF086  }
0x1c: {  	p1 =	slt.u32 s9, $0xF7A;
	s5 =	simm.s32 @!p2 $0x0  }
0x1d: {  	s5 =	simm.s32 @p1 $0x1;
	p0 =	seq.s32 s7, s2  }
0x1e: {  	s7 =	smul.u32 @!p0 $0xF7A, s2;
	p2 =	seq.s32 @!p0 s5, $0x0  }
0x1f: {  	s9 =	smul.u32 $0xF7A, s1;
	s8 =	simm.s32 @!p0 $0x1BF5;
	p2 =	por !p2, p0  }
0x20: {  	[sflag:s8] =	ssyncset.s32 @!p0 $0xFFFFF086;
	s6 =	sadd.s32 @!p0 s3, s7;
	s7 =	simm.s32 @!p0 $0x108  }
0x21: {  	s3 =	sadd.s32 s3, s9;
	s6 =	sadd.s32 @!p0 $0x88, s6;
	s7 =	simm.s32 @p2 $0x1082  }
0x22: {  	[simem:s7], [sflag:s8] =	dma.local @!p0 [hbm:s6], $0xF7A  }
0x23: {  	s9 =	sor.u32 $0xD0000000, s2;
	s6 =	simm.s32 $0x108;
	_ =	swait.ge @!p0 [sflag:s8], $0x0  }
0x24: {  	s3 =	sadd.s32 $0x88, s3;
	s6 =	simm.s32 @!p1 $0x1082;
	[sflag:s4] =	ssyncset.s32 $0xFFFFF086  }
0x25: {  	[simem:s6], [sflag:s4] =	dma.local [hbm:s3], $0xF7A  }
0x26: {  	[smem:$0x3F9F] =	sst s1;
	(tag) =	ssettag s2;
	_ =	strace s9  }
0x27: {  	s1 =	sld [smem:$0x3FAF]  }
0x28: {  	s2 =	sld [smem:$0x3FB0]  }
0x29: {  	s4 =	sld [smem:$0x3FB2]  }
0x2a: {  	p0 =	seq.s32 s5, $0x0;
	s5 =	sld [smem:$0x3FB3]  }
0x2b: {  	s6 =	sld [smem:$0x3FB4]  }
0x2c: {  	s7 =	sld [smem:$0x3FB5]  }
0x2d: {  	s3 =	simm.s32 $0x108;
	s8 =	sld [smem:$0x3FB6]  }
0x2e: {  	s3 =	simm.s32 @!p0 $0x1082;
	s9 =	sld [smem:$0x3FB7]  }
0x2f: {  	lr =	sadd.s32 s0, s3;
	s0 =	sld [smem:$0x3FAE]  }
0x30: {  	s3 =	sld [smem:$0x3FB1]  }
0x31: {  	[smem:$0x3FBA] =	sst s10  }
0x32: {  	s10 =	sld [smem:$0x3FB8];
	_ =	sdelay $0x3  }
0x33: {  	p0 =	seq.s32 s10, $0x1;
	s10 =	sld [smem:$0x3FBA];
	_ =	sdelay $0x3  }
0x34: {  	[smem:$0x3FBA] =	sst s10  }
0x35: {  	s10 =	sld [smem:$0x3FB9];
	_ =	sdelay $0x3  }
0x36: {  	p1 =	seq.s32 s10, $0x1;
	s10 =	sld [smem:$0x3FBA];
	_ =	sdelay $0x3  }
0x37: {  	[smem:$0x3FBA] =	sst s10  }
0x38: {  	s10 =	sld [smem:$0x3FBB]  }
0x39: {  	_ = 	snop;
	(pc) =	sbr.ind lr, $3  }
0x3a: {  	_ = 	snop  }
0x3b: {  	_ = 	snop  }
0x3c: {  	p2 =	seq.s32 s10, $0x1;
	s10 =	sld [smem:$0x3FBA]  }
0x3d: {  	_ =	shalt  }
0x3e: {  	_ =	shalt  }
0x3f: {  	_ =	shalt  }
0x40: {  	_ =	shalt  }
0x41: {  	_ =	shalt  }
0x42: {  	_ =	shalt  }
0x43: {  	_ =	shalt  }
0x44: {  	_ =	shalt  }
0x45: {  	_ =	shalt  }
0x46: {  	_ =	shalt  }
0x47: {  	_ =	shalt  }
0x48: {  	_ =	shalt  }
0x49: {  	_ =	shalt  }
0x4a: {  	_ =	shalt  }
0x4b: {  	_ =	shalt  }
0x4c: {  	_ =	shalt  }
0x4d: {  	_ =	shalt  }
0x4e: {  	_ =	shalt  }
0x4f: {  	_ =	shalt  }
0x50: {  	_ =	shalt  }
0x51: {  	_ =	shalt  }
0x52: {  	_ =	shalt  }
0x53: {  	_ =	shalt  }
0x54: {  	_ =	shalt  }
0x55: {  	_ =	shalt  }
0x56: {  	_ =	shalt  }
0x57: {  	_ =	shalt  }
0x58: {  	_ =	shalt  }
0x59: {  	_ =	shalt  }
0x5a: {  	_ =	shalt  }
0x5b: {  	_ =	shalt  }
0x5c: {  	_ =	shalt  }
0x5d: {  	_ =	shalt  }
0x5e: {  	_ =	shalt  }
0x5f: {  	_ =	shalt  }
0x60: {  	_ =	shalt  }
0x61: {  	_ =	shalt  }
0x62: {  	_ =	shalt  }
0x63: {  	_ =	shalt  }
0x64: {  	_ =	shalt  }
0x65: {  	_ =	shalt  }
0x66: {  	_ =	shalt  }
0x67: {  	_ =	shalt  }
0x68: {  	_ =	shalt  }
0x69: {  	_ =	shalt  }
0x6a: {  	_ =	shalt  }
0x6b: {  	_ =	shalt  }
0x6c: {  	_ =	shalt  }
0x6d: {  	_ =	shalt  }
0x6e: {  	_ =	shalt  }
0x6f: {  	_ =	shalt  }
0x70: {  	_ =	shalt  }
0x71: {  	_ =	shalt  }
0x72: {  	_ =	shalt  }
0x73: {  	_ =	shalt  }
0x74: {  	_ =	shalt  }
0x75: {  	_ =	shalt  }
0x76: {  	_ =	shalt  }
0x77: {  	_ =	shalt  }
0x78: {  	_ =	shalt  }
0x79: {  	_ =	shalt  }
0x7a: {  	_ =	shalt  }
0x7b: {  	_ =	shalt  }
0x7c: {  	_ =	shalt  }
0x7d: {  	_ =	shalt  }
0x7e: {  	_ =	shalt  }
0x7f: {  	_ =	shalt  }
0x80: {  	_ =	shalt  }
0x81: {  	_ =	shalt  }
0x82: {  	_ =	shalt  }
0x83: {  	_ =	shalt  }
0x84: {  	_ =	shalt  }
0x85: {  	_ =	shalt  }
0x86: {  	_ =	shalt  }
0x87: {  	_ =	shalt  }
.Lfunc_end0:
.L_simem_size_0:
called_computation_lowered:
.L_overlay_start_0:
0x88: {  	s2 =	sld [smem:$0x3FD9]  }
0x89: {  	s3 =	sld [smem:$0x3FFE];
	_ =	sdelay $0x1  }
0x8a: {  	s1 =	srdreg.scid  }
0x8b: {  	s0 =	sand.u32 $0x1, s1  }
0x8c: {  	s18 =	sshll.u32 s0, $0xA;
	s2 =	sadd.s32 s3, s2  }
0x8d: {  	s2 =	sadd.s32 s2, s18  }
0x8e: {  	[smem:$0x3FC6] =	sst s2  }
0x8f: {  	_ = 	snop  }
0x90: {  	s2 =	sld [smem:$0x3FC9]  }
0x91: {  	s19 =	sld [smem:$0x3FC8]  }
0x92: {  	s4 =	sld [smem:$0x3FD0];
	(tm) =	ssettm $0x1  }
0x93: {  	s5 =	sld [smem:$0x3FFB];
	_ =	sdelay $0x3  }
0x94: {  	_ =	strace s5  }
0x95: {  	s5 =	sld [smem:$0x3FFC];
	_ =	sdelay $0x3  }
0x96: {  	_ =	strace s5  }
0x97: {  	s5 =	sld [smem:$0x3FFD];
	_ =	sdelay $0x3  }
0x98: {  	_ =	strace s5  }
0x99: {  	_ =	strace $0x8FFFFFFF  }
0x9a: {  	s20 =	sld [smem:$0x3FDB];
	_ =	sdelay $0x1  }
0x9b: {  	s6 =	simm.s32 $_scs_section_size  }
0x9c: {  	s7 =	simm.s32 $_size__tile_overlayer_lowered;
	s8 =	simm.s32 $_tile_overlayer_lowered  }
0x9d: {  	s23 =	simm.s32 $0x1BFF;
	s22 =	sshll.u32 s8, $0x1;
	s5 =	sadd.s32 s6, s20  }
0x9e: {  	s9 =	simm.s32 $0x0;
	s21 =	sshll.u32 s7, $0x1;
	s7 =	sadd.s32 s22, s5  }
0x9f: {  	[timem:s9], [sflag:s23] =	dma.local [hbm:s7], s21  }
0xa0: {  	_ =	swait.ge [sflag:s23], s21  }
0xa1: {  	s6 =	ssub.s32 $0x0, s21;
	[sflag:s23] =	ssyncset.done $0x0  }
0xa2: {  	[sflag:s23] =	ssyncadd.s32 s6;
	_ =	sdelay $0x1  }
0xa3: {  	s24 =	simm.s32 $0x1B8B  }
0xa4: {  	_ =	swait.ge [sflag:s24], $0x1  }
0xa5: {  	[sflag:s24] =	ssyncset.done $0x0  }
0xa6: {  	s25 =	simm.s32 $0x1B8E;
	[sflag:s24] =	ssyncadd.s32 $0xFFFFFFFF  }
0xa7: {  	s26 =	simm.s32 $execute0_lowered;
	[smem:$0x3FD2] =	sst s25  }
0xa8: {  	s6 =	sshll.u32 s26, $0x1;
	_ =	strace $0x80000046;
	[dreg:$0x1] =	wrdreg $0xFFFFFFFF  }
0xa9: {  	s28 =	simm.s32 $_size_execute0_lowered;
	s5 =	sadd.s32 s5, s6;
	[dreg:$0x0] =	wrdreg $0x0  }
0xaa: {  	s6 =	sshll.u32 s28, $0x1;
	[dreg:$0x2] =	wrdreg s5  }
0xab: {  	[dreg:$0x3] =	wrdreg s6  }
0xac: {  	[dreg:$0x4] =	wrdreg $0xC0  }
0xad: {  	_ =	task [dreg:s9], $0x5FFFF  }
0xae: {  	[dreg:$0x1] =	wrdreg $0xFFFFFFFF  }
0xaf: {  	[dreg:$0x0] =	wrdreg $0x60  }
0xb0: {  	[dreg:$0x2] =	wrdreg s2  }
0xb1: {  	[dreg:$0x3] =	wrdreg s19  }
0xb2: {  	[dreg:$0x4] =	wrdreg s4  }
0xb3: {  	[dreg:$0x5] =	wrdreg $0x9  }
0xb4: {  	_ =	task.clear_ibuf [dreg:s9], $0x6FFFF;
	_ =	strace $0x90000046  }
0xb5: {  	s29 =	simm.s32 $0x9;
	_ =	strace $0x80000048  }
0xb6: {  	_ =	swait.ge [sflag:s29], $0x1  }
0xb7: {  	[sflag:s29] =	ssyncadd.s32 $0xFFFFFFFF  }
0xb8: {  	_ =	strace $0x90000048  }
0xb9: {  	_ =	sfence  }
0xba: {  	s30 =	sld [smem:$0x0];
	_ =	sdelay $0x2  }
0xbb: {  	s31 =	sshll.u32 s1, $0xD;
	s1 =	sshrl.u32 s1, $0x2  }
0xbc: {  	s3 =	sand.u32 $0x4000, s31;
	s1 =	sadd.s32 s1, s30  }
0xbd: {  	s0 =	sor.u32 s3, s0;
	s1 =	sshll.u32 s1, $0x11  }
0xbe: {  	s0 =	sor.u32 s1, s0  }
0xbf: {  	s0 =	sadd.s32 $0x8F2B, s0  }
0xc0: {  	[sflag:s0] =	ssyncadd.remote.s32 $0x1  }
0xc1: {  	_ =	sfence.sel $0xFFFF  }
0xc2: {  	[dreg:$0x0] =	wrdreg $0xFFFFFFFF;
	(pc) =	sbr.abs _section_cstart, $3  }
0xc3: {  	[dreg:$0x1] =	wrdreg $0xFFFFFFFF  }
0xc4: {  	_ =	task.clear_ibuf [dreg:s9], $0x2FFFF;
	_ =	strace $0x9FFFFFFF  }
0xc5: {  	(tm) =	ssettm $0x7FFFFFFF  }
tec
execute0_lowered:
.L_overlay_start_1:
0x0: {  	(tag) =	ssettag $0x1  }
0x1: {  	s0 =	rddreg [dreg:$0x0];
	s1 =	srdreg.scid  }
0x2: {  	s16 =	rddreg [dreg:$0x2];
	s2 =	stileid.u32  }
0x3: {  	s4 =	simm.s32 $0x0;
	s10 =	simm.s32 $0x800;
	s11 =	simm.s32 $0x4800  }
0x4: {  	s13 =	simm.s32 $0x1;
	s1 =	sand.u32 $0x1, s1;
	s2 =	sshll.u32 s2, $0x12  }
0x5: {  	[smem:$0x7FF] =	sst s4;
	s3 =	sshll.u32 s1, $0x11;
	s1 =	ssub.s32 $0x2, s1  }
.Ltmp0:
0x6: {  	s3 =	sor.u32 s3, s2;
	s29 =	sshrl.u32 s1, $0x1;
	(pc) =	sbr.rel .LBB2_1-.Ltmp0, $4  }
0x7: {  	[dreg:$0x4] =	wrdreg s3;
	s3 =	sadd.s32 s0, s3;
	s1 =	ssub.s32 s1, s29  }
0x8: {  	_ =	strace $0x80000047;
	[dreg:$0x5] =	wrdreg s3;
	s30 =	sadd.s32 $0x800, s3  }
0x9: {  	s15 =	simm.s32 $0x2;
	s31 =	smax.u32 s1, $0x1;
	[dreg:$0x6] =	wrdreg s30  }
0xa: {  	s8 =	sadd.s32 $0x1000, s0;
	s2 =	simm.s32 $0x0;
	[dreg:$0x7] =	wrdreg s31  }
.LBB2_12:
0xb: {  	s0 =	simm.s32 $0x3  }
0xc: {  	_ =	swait.ge [sflag:s0], $0x4000  }
0xd: {  	[sflag:s0] =	ssyncset.done $0x0  }
0xe: {  	s1 =	simm.s32 $0x4;
	[sflag:s0] =	ssyncadd.s32 $0xFFFFC000  }
0xf: {  	_ =	swait.ge [sflag:s1], $0x4000  }
0x10: {  	s2 =	rddreg [dreg:$0x8]  }
0x11: {  	s31 =	rddreg [dreg:$0x7];
	s2 =	sadd.s32 $0x1, s2  }
0x12: {  	p0 =	sne.s32 s2, s31  }
.Ltmp1:
0x13: {  	_ = 	snop;
	(pc) =	sbr.rel @!p0 .LBB2_13-.Ltmp1, $3  }
0x14: {  	_ =	sdelay $0x1  }
0x15: {  	[sflag:s1] =	ssyncset.done $0x0  }
0x16: {  	[sflag:s1] =	ssyncadd.s32 $0xFFFFC000  }
.LBB2_1:
0x17: {  	[dreg:$0x8] =	wrdreg s2  }
0x18: {  	s0 =	rddreg [dreg:$0x5]  }
0x19: {  	[tilespmem:s10], [sflag:$0x1] =	stream.linear.gather [hbm4b:s0+s4], $0x4000, $0x38;
	[tilespmem:$0x10800] =	vst v63  }
0x1a: {  	s29 =	rddreg [dreg:$0x6]  }
0x1b: {  	[tilespmem:s11], [sflag:$0x2] =	stream.linear.gather [hbm4b:s29+s4], $0x4000, $0x38;
	[tilespmem:$0x10800] =	vst v63  }
0x1c: {  	s30 =	rddreg [dreg:$0x1];
	s31 =	simm.s32 $0x5  }
0x1d: {  	[tilespmem:s4], [sflag:$0x5] =	stream.linear.gather [hbm4b:s30+s4], $0x800, $0x38;
	[tilespmem:$0x10800] =	vst v63  }
0x1e: {  	_ =	swait.ge [sflag:s31], $0x800  }
0x1f: {  	[sflag:s31] =	ssyncset.done $0x0  }
0x20: {  	s20 =	simm.s32 $0x0;
	[sflag:s31] =	ssyncadd.s32 $0xFFFFF800  }
.LBB2_2:
0x21: {  	_ =	swait.ge [sflag:s13], $0x4000  }
0x22: {  	p0 =	seq.s32 s20, $0x0;
	[sflag:s13] =	ssyncset.done $0x0  }
0x23: {  	s1 =	simm.s32 $0x0;
	s0 =	simm.s32 @!p0 $0x3;
	[sflag:s13] =	ssyncadd.s32 $0xFFFFC000  }
0x24: {  	s2 =	sand.u32 $0x40, s1;
	_ =	swait.ge @!p0 [sflag:s0], $0x4000  }
0x25: {  	s3 =	sand.u32 $0x780, s1;
	s5 =	sor.u32 $0x30, s2;
	[sflag:s0] =	ssyncset.done @!p0 $0x0  }
0x26: {  	s21 =	sor.u32 s5, s3;
	[sflag:s0] =	ssyncadd.s32 @!p0 $0xFFFFC000  }
0x27: {  	v0 =	vld [tilespmem:s21+$0x0]  }
0x28: {  	s22 =	sor.u32 $0x10, s2;
	v1 =	vld [tilespmem:s1+$0x0]  }
0x29: {  	s6 =	sor.u32 $0x20, s2;
	s7 =	sor.u32 s22, s3  }
0x2a: {  	s3 =	sor.u32 s6, s3;
	v2 =	vld [tilespmem:s7+$0x0]  }
0x2b: {  	v3 =	vld [tilespmem:s3+$0x0]  }
0x2c: {  	v4 =	vshll.u32 v0, $0x3  }
0x2d: {  	v5 =	vshll.u32 v1, $0x3;
	v0 =	vand.u32 $0x7F, v0;
	v4 =	vand.u32 $0xFFFFFC00, v4  }
0x2e: {  	v1 =	vand.u32 $0x7F, v1;
	v6 =	vand.u32 $0xFFFFFC00, v5;
	v5 =	vor.u32 v0, v4  }
0x2f: {  	v0 =	vor.u32 v1, v6;
	v1 =	vshll.u32 v2, $0x3  }
0x30: {  	v4 =	vshll.u32 v3, $0x3;
	v2 =	vand.u32 $0x7F, v2;
	v1 =	vand.u32 $0xFFFFFC00, v1  }
0x31: {  	v6 =	vand.u32 $0xFFFFFC00, v4;
	v4 =	vor.u32 v2, v1;
	v1 =	vand.u32 $0x7F, v3  }
0x32: {  	v3 =	vor.u32 v1, v6  }
0x33: {  	v1 =	vld.idx.msk [tilespmem:v5+s10+$0x0], $0xffff  }
0x34: {  	v6 =	vor.u32 $0x80, v5;
	v2 =	vld.idx.msk [tilespmem:v0+s10+$0x0], $0xffff  }
0x35: {  	s1 =	sand.u32 $0x3C00, s1;
	v7 =	vor.u32 $0x80, v0  }
0x36: {  	s1 =	sadd.s32 $0x8800, s1;
	v8 =	vld.idx.msk [tilespmem:v4+s10+$0x0], $0xffff  }
0x37: {  	s23 =	sor.u32 s5, s1;
	v9 =	vor.u32 $0x80, v4;
	v10 =	vld.idx.msk [tilespmem:v3+s10+$0x0], $0xffff  }
0x38: {  	s24 =	sor.u32 s2, s1;
	v11 =	vor.u32 $0x80, v3;
	[tilespmem:s23+$0x0] =	vst v1  }
0x39: {  	[tilespmem:s24+$0x0] =	vst v2;
	v1 =	vld.idx.msk [tilespmem:v6+s10+$0x0], $0xffff  }
0x3a: {  	s12 =	sor.u32 s22, s1;
	v2 =	vld.idx.msk [tilespmem:v7+s10+$0x0], $0xffff;
	v6 =	vor.u32 $0x100, v5  }
0x3b: {  	s25 =	sor.u32 s6, s1;
	v7 =	vor.u32 $0x100, v0;
	[tilespmem:s12+$0x0] =	vst v8  }
0x3c: {  	v8 =	vld.idx.msk [tilespmem:v9+s10+$0x0], $0xffff;
	[tilespmem:s25+$0x0] =	vst v10  }
0x3d: {  	v9 =	vor.u32 $0x100, v4;
	v10 =	vld.idx.msk [tilespmem:v11+s10+$0x0], $0xffff  }
0x3e: {  	v11 =	vor.u32 $0x100, v3;
	[tilespmem:s23+$0x80] =	vst v1  }
0x3f: {  	[tilespmem:s24+$0x80] =	vst v2;
	v1 =	vld.idx.msk [tilespmem:v6+s10+$0x0], $0xffff  }
0x40: {  	v2 =	vld.idx.msk [tilespmem:v7+s10+$0x0], $0xffff;
	v6 =	vor.u32 $0x180, v5  }
0x41: {  	v7 =	vor.u32 $0x180, v0;
	[tilespmem:s12+$0x80] =	vst v8  }
0x42: {  	v8 =	vld.idx.msk [tilespmem:v9+s10+$0x0], $0xffff;
	[tilespmem:s25+$0x80] =	vst v10  }
0x43: {  	s21 =	simm.s32 $0x40;
	v9 =	vor.u32 $0x180, v4;
	v10 =	vld.idx.msk [tilespmem:v11+s10+$0x0], $0xffff  }
0x44: {  	s0 =	sand.u32 $0x40, s21;
	v11 =	vld [tilespmem:s21+$0x0];
	[tilespmem:s23+$0x100] =	vst v1  }
0x45: {  	s26 =	sand.u32 $0x780, s21;
	s2 =	sor.u32 $0x30, s0;
	[tilespmem:s24+$0x100] =	vst v2;
	v1 =	vld.idx.msk [tilespmem:v6+s10+$0x0], $0xffff  }
0x46: {  	s9 =	sor.u32 s2, s26;
	v2 =	vor.u32 $0x180, v3;
	v6 =	vld.idx.msk [tilespmem:v7+s10+$0x0], $0xffff  }
0x47: {  	s1 =	sor.u32 $0x10, s0;
	v7 =	vor.u32 $0x200, v5;
	[tilespmem:s12+$0x100] =	vst v8;
	v8 =	vld [tilespmem:s9+$0x0]  }
0x48: {  	s17 =	sor.u32 $0x20, s0;
	s14 =	sor.u32 s1, s26;
	v9 =	vld.idx.msk [tilespmem:v9+s10+$0x0], $0xffff  }
0x49: {  	s6 =	sor.u32 s17, s26;
	v13 =	vld [tilespmem:s14+$0x0];
	v12 =	vor.u32 $0x200, v4;
	v14 =	vshll.u32 v11, $0x3  }
0x4a: {  	v15 =	vld [tilespmem:s6+$0x0];
	[tilespmem:s25+$0x100] =	vst v10;
	v10 =	vor.u32 $0x200, v0;
	v11 =	vand.u32 $0x7F, v11;
	v14 =	vand.u32 $0xFFFFFC00, v14  }
0x4b: {  	p1 =	por $0x0, $0x0;
	s6 =	simm.s32 $0x1;
	v16 =	vld.idx.msk [tilespmem:v2+s10+$0x0], $0xffff;
	[tilespmem:s23+$0x180] =	vst v1;
	v1 =	vor.u32 v11, v14  }
0x4c: {  	s6 =	simm.s32 @!p1 $0x0;
	v11 =	vor.u32 $0x200, v3;
	v7 =	vld.idx.msk [tilespmem:v7+s10+$0x0], $0xffff;
	v2 =	vshll.u32 v8, $0x3  }
0x4d: {  	s6 =	sshll.u32 s6, $0x6;
	v8 =	vand.u32 $0x7F, v8;
	[tilespmem:s12+$0x180] =	vst v9;
	v2 =	vand.u32 $0xFFFFFC00, v2;
	v9 =	vor.u32 $0x280, v5  }
0x4e: {  	s6 =	sadd.s32 $0x0, s6;
	v14 =	vor.u32 $0x280, v4;
	[tilespmem:s24+$0x180] =	vst v6;
	v6 =	vld.idx.msk [tilespmem:v12+s10+$0x0], $0xffff;
	v12 =	vshll.u32 v13, $0x3;
	v2 =	vor.u32 v8, v2  }
0x4f: {  	s7 =	sadd.s32 $0x30, s6;
	v8 =	vld.idx.msk [tilespmem:v10+s10+$0x0], $0xffff;
	v10 =	vshll.u32 v15, $0x3;
	v13 =	vand.u32 $0x7F, v13;
	v12 =	vand.u32 $0xFFFFFC00, v12  }
0x50: {  	s18 =	sor.u32 $0x200, s7;
	v10 =	vand.u32 $0xFFFFFC00, v10;
	[tilespmem:s25+$0x180] =	vst v16;
	v17 =	vld.idx.msk [tilespmem:v1+s10+$0x0], $0xffff;
	v21 =	vor.u32 v13, v12;
	v12 =	vand.u32 $0x7F, v15  }
0x51: {  	s19 =	sadd.s32 $0x10, s6;
	v11 =	vld.idx.msk [tilespmem:v11+s10+$0x0], $0xffff;
	v10 =	vor.u32 v12, v10;
	[tilespmem:s18+$0x8800] =	vst v7  }
0x52: {  	s22 =	sor.u32 $0x200, s19;
	v7 =	vor.u32 $0x280, v0;
	v9 =	vld.idx.msk [tilespmem:v9+s10+$0x0], $0xffff  }
0x53: {  	s23 =	sor.u32 $0x200, s6;
	v12 =	vor.u32 $0x280, v3;
	v13 =	vld.idx.msk [tilespmem:v2+s10+$0x0], $0xffff;
	[tilespmem:s22+$0x8800] =	vst v6  }
0x54: {  	s14 =	sadd.s32 $0x20, s6;
	s22 =	simm.s32 $0x200;
	[tilespmem:s23+$0x8800] =	vst v8;
	v8 =	vor.u32 $0x80, v1;
	v6 =	vld.idx.msk [tilespmem:v14+s10+$0x0], $0xffff  }
0x55: {  	s24 =	sor.u32 $0x200, s14;
	v14 =	vor.u32 $0x300, v5;
	s25 =	sand.u32 $0x3C00, s22;
	v15 =	vld.idx.msk [tilespmem:v21+s10+$0x0], $0xffff  }
0x56: {  	s26 =	sor.u32 $0x280, s7;
	v16 =	vor.u32 $0x80, v2;
	s3 =	sadd.s32 $0x8800, s25;
	[tilespmem:s24+$0x8800] =	vst v11;
	v18 =	vld.idx.msk [tilespmem:v10+s10+$0x0], $0xffff  }
0x57: {  	v19 =	vor.u32 $0x80, v21;
	v22 =	vld.idx.msk [tilespmem:v7+s10+$0x0], $0xffff;
	s31 =	sor.u32 s0, s3;
	[tilespmem:s26+$0x8800] =	vst v9  }
0x58: {  	v7 =	vor.u32 $0x80, v10;
	s2 =	sor.u32 s2, s3;
	v11 =	vld.idx.msk [tilespmem:v12+s10+$0x0], $0xffff;
	[tilespmem:s31+$0x0] =	vst v17  }
0x59: {  	s1 =	sor.u32 s1, s3;
	v9 =	vor.u32 $0x300, v4;
	s26 =	sor.u32 s17, s3;
	s3 =	sor.u32 $0x280, s19;
	[tilespmem:s2+$0x0] =	vst v13;
	v8 =	vld.idx.msk [tilespmem:v8+s10+$0x0], $0xffff  }
0x5a: {  	v13 =	vor.u32 $0x300, v3;
	v12 =	vld.idx.msk [tilespmem:v14+s10+$0x0], $0xffff;
	[tilespmem:s3+$0x8800] =	vst v6  }
0x5b: {  	v5 =	vor.u32 $0x380, v5;
	v16 =	vld.idx.msk [tilespmem:v16+s10+$0x0], $0xffff;
	[tilespmem:s1+$0x0] =	vst v15  }
0x5c: {  	s5 =	sor.u32 $0x280, s14;
	v17 =	vor.u32 $0x100, v2;
	v15 =	vld.idx.msk [tilespmem:v19+s10+$0x0], $0xffff;
	[tilespmem:s26+$0x0] =	vst v18  }
0x5d: {  	s17 =	sor.u32 $0x280, s6;
	v18 =	vor.u32 $0x100, v1;
	[tilespmem:s5+$0x8800] =	vst v11;
	v7 =	vld.idx.msk [tilespmem:v7+s10+$0x0], $0xffff  }
0x5e: {  	s9 =	sor.u32 $0x300, s7;
	v6 =	vor.u32 $0x100, v21;
	[tilespmem:s17+$0x8800] =	vst v22;
	v23 =	vld.idx.msk [tilespmem:v9+s10+$0x0], $0xffff  }
0x5f: {  	v20 =	vor.u32 $0x100, v10;
	v14 =	vld.idx.msk [tilespmem:v13+s10+$0x0], $0xffff;
	[tilespmem:s9+$0x8800] =	vst v12  }
0x60: {  	[tilespmem:s2+$0x80] =	vst v16;
	v16 =	vor.u32 $0x300, v0;
	v24 =	vld.idx.msk [tilespmem:v5+s10+$0x0], $0xffff  }
0x61: {  	v25 =	vor.u32 $0x380, v4;
	[tilespmem:s31+$0x80] =	vst v8;
	v19 =	vld.idx.msk [tilespmem:v17+s10+$0x0], $0xffff  }
0x62: {  	v4 =	vor.u32 $0x380, v21;
	v17 =	vld.idx.msk [tilespmem:v18+s10+$0x0], $0xffff;
	[tilespmem:s1+$0x80] =	vst v15  }
0x63: {  	v11 =	vor.u32 $0x200, v21;
	v22 =	vor.u32 $0x180, v2;
	v13 =	vor.u32 $0x180, v21;
	v18 =	vld.idx.msk [tilespmem:v6+s10+$0x0], $0xffff;
	[tilespmem:s26+$0x80] =	vst v7  }
0x64: {  	s28 =	simm.s32 $0x80;
	s30 =	sor.u32 $0x300, s6;
	s18 =	sor.u32 $0x300, s19;
	v8 =	vor.u32 $0x280, v21;
	v6 =	vor.u32 $0x300, v21;
	v21 =	vor.u32 $0x180, v1;
	v20 =	vld.idx.msk [tilespmem:v20+s10+$0x0], $0xffff  }
0x65: {  	s29 =	sor.u32 $0x380, s19;
	s23 =	sor.u32 $0x380, s6;
	s19 =	sor.u32 $0x380, s7;
	v3 =	vor.u32 $0x380, v3;
	v9 =	vor.u32 $0x200, v10;
	v12 =	vor.u32 $0x180, v10;
	[tilespmem:s18+$0x8800] =	vst v23;
	v15 =	vld.idx.msk [tilespmem:v16+s10+$0x0], $0xffff  }
0x66: {  	s25 =	simm.s32 $0x4;
	s24 =	sor.u32 $0x380, s14;
	s0 =	sor.u32 $0x300, s14;
	v5 =	vor.u32 $0x300, v10;
	v7 =	vor.u32 $0x280, v10;
	v10 =	vor.u32 $0x380, v10;
	v16 =	vld.idx.msk [tilespmem:v25+s10+$0x0], $0xffff;
	[tilespmem:s19+$0x8800] =	vst v24  }
.LBB2_3:
0x67: {  	v23 =	vld [tilespmem:s28+$0x0];
	[tilespmem:s2+$0x100] =	vst v19;
	s21 =	sadd.s32 $0x40, s21  }
0x68: {  	s25 =	sadd.s32 $0x4, s25;
	s7 =	sand.u32 $0x40, s21;
	[tilespmem:s31+$0x100] =	vst v17;
	v17 =	vld.idx.msk [tilespmem:v22+s10+$0x0], $0xffff  }
0x69: {  	s3 =	sand.u32 $0x780, s21;
	p2 =	slt.u32 s25, $0x7C;
	s9 =	sor.u32 $0x30, s7;
	v19 =	vld.idx.msk [tilespmem:v21+s10+$0x0], $0xffff;
	[tilespmem:s1+$0x100] =	vst v18  }
0x6a: {  	s12 =	sor.u32 $0x10, s7;
	s6 =	sor.u32 $0x20, s7;
	v18 =	vor.u32 $0x200, v2;
	s5 =	sor.u32 s9, s3;
	v13 =	vld.idx.msk [tilespmem:v13+s10+$0x0], $0xffff;
	[tilespmem:s26+$0x100] =	vst v20  }
0x6b: {  	v21 =	vor.u32 $0x200, v1;
	s14 =	sor.u32 s12, s3;
	s3 =	sor.u32 s6, s3;
	v20 =	vld [tilespmem:s5+$0x0];
	[tilespmem:s0+$0x8800] =	vst v14  }
0x6c: {  	v14 =	vld [tilespmem:s14+$0x0];
	[tilespmem:s30+$0x8800] =	vst v15  }
0x6d: {  	v15 =	vshll.u32 v23, $0x3;
	v22 =	vld [tilespmem:s3+$0x0];
	[tilespmem:s29+$0x8800] =	vst v16  }
0x6e: {  	v16 =	vand.u32 $0x7F, v23;
	v15 =	vand.u32 $0xFFFFFC00, v15;
	v12 =	vld.idx.msk [tilespmem:v12+s10+$0x0], $0xffff;
	[tilespmem:s2+$0x180] =	vst v17;
	v17 =	vor.u32 $0x380, v0;
	v0 =	vmovc v1  }
0x6f: {  	p1 =	por !p1, !p1;
	s0 =	simm.s32 $0x1;
	v1 =	vor.u32 v16, v15;
	[tilespmem:s31+$0x180] =	vst v19;
	v15 =	vld.idx.msk [tilespmem:v18+s10+$0x0], $0xffff  }
0x70: {  	s0 =	simm.s32 @!p1 $0x0;
	v16 =	vshll.u32 v20, $0x3;
	v18 =	vld.idx.msk [tilespmem:v21+s10+$0x0], $0xffff;
	[tilespmem:s1+$0x180] =	vst v13  }
0x71: {  	s0 =	sshll.u32 s0, $0x6;
	v13 =	vand.u32 $0x7F, v20;
	v16 =	vand.u32 $0xFFFFFC00, v16;
	v19 =	vld.idx.msk [tilespmem:v11+s10+$0x0], $0xffff;
	v11 =	vor.u32 $0x280, v2  }
0x72: {  	s1 =	sadd.s32 s0, s22;
	v20 =	vshll.u32 v14, $0x3;
	v21 =	vshll.u32 v22, $0x3;
	v16 =	vor.u32 v13, v16;
	v23 =	vld.idx.msk [tilespmem:v3+s10+$0x0], $0xffff;
	v3 =	vmovc v10  }
0x73: {  	s2 =	sadd.s32 $0x10, s1;
	s5 =	sadd.s32 $0x20, s1;
	s18 =	sadd.s32 $0x30, s1;
	v10 =	vand.u32 $0x7F, v14;
	v13 =	vand.u32 $0xFFFFFC00, v20;
	v14 =	vand.u32 $0xFFFFFC00, v21;
	v17 =	vld.idx.msk [tilespmem:v17+s10+$0x0], $0xffff  }
0x74: {  	s29 =	sor.u32 $0x200, s2;
	s0 =	sor.u32 $0x200, s18;
	v10 =	vor.u32 v10, v13;
	v13 =	vand.u32 $0x7F, v22;
	v21 =	vor.u32 $0x280, v0;
	v20 =	vld.idx.msk [tilespmem:v1+s10+$0x0], $0xffff;
	[tilespmem:s26+$0x180] =	vst v12;
	s26 =	sor.u32 $0x200, s5  }
0x75: {  	s14 =	sor.u32 $0x200, s1;
	s3 =	sor.u32 $0x280, s2;
	s17 =	sor.u32 $0x280, s5;
	v22 =	vor.u32 $0x80, v10;
	v24 =	vor.u32 $0x100, v10;
	v14 =	vor.u32 v13, v14;
	v25 =	vld.idx.msk [tilespmem:v9+s10+$0x0], $0xffff;
	[tilespmem:s0+$0x8800] =	vst v15  }
0x76: {  	s19 =	sor.u32 $0x300, s2;
	v13 =	vor.u32 $0x180, v10;
	v15 =	vor.u32 $0x80, v14;
	v26 =	vor.u32 $0x100, v14;
	s0 =	sor.u32 $0x300, s5;
	[tilespmem:s14+$0x8800] =	vst v18;
	s14 =	sor.u32 $0x280, s1;
	v18 =	vld.idx.msk [tilespmem:v11+s10+$0x0], $0xffff  }
0x77: {  	s30 =	sor.u32 $0x300, s1;
	v12 =	vor.u32 $0x180, v14;
	v9 =	vor.u32 $0x200, v14;
	v11 =	vor.u32 $0x200, v10;
	v27 =	vld.idx.msk [tilespmem:v16+s10+$0x0], $0xffff;
	[tilespmem:s29+$0x8800] =	vst v19;
	s29 =	sor.u32 $0x380, s2;
	s2 =	sor.u32 $0x380, s5  }
0x78: {  	v29 =	vor.u32 $0x300, v2;
	s1 =	sor.u32 $0x380, s1;
	v19 =	vor.u32 $0x280, v14;
	v28 =	vld.idx.msk [tilespmem:v8+s10+$0x0], $0xffff;
	v8 =	vor.u32 $0x280, v10;
	[tilespmem:s24+$0x8800] =	vst v23;
	s24 =	smov.u32 s2  }
0x79: {  	s22 =	sadd.s32 $0x200, s22;
	v32 =	vor.u32 $0x80, v16;
	v30 =	vor.u32 $0x300, v10;
	v31 =	vor.u32 $0x300, v14;
	v23 =	vld.idx.msk [tilespmem:v10+s10+$0x0], $0xffff;
	[tilespmem:s23+$0x8800] =	vst v17;
	s23 =	smov.u32 s1  }
0x7a: {  	v33 =	vor.u32 $0x380, v10;
	s1 =	sand.u32 $0x3C00, s22;
	v17 =	vor.u32 $0x80, v1;
	v10 =	vor.u32 $0x380, v14;
	v34 =	vld.idx.msk [tilespmem:v14+s10+$0x0], $0xffff  }
0x7b: {  	s5 =	sadd.s32 $0x8800, s1;
	v35 =	vld.idx.msk [tilespmem:v21+s10+$0x0], $0xffff;
	[tilespmem:s26+$0x8800] =	vst v25;
	s26 =	sor.u32 $0x280, s18  }
0x7c: {  	s31 =	sor.u32 s7, s5;
	s1 =	sor.u32 s12, s5;
	s2 =	sor.u32 s9, s5;
	v14 =	vld.idx.msk [tilespmem:v7+s10+$0x0], $0xffff;
	[tilespmem:s26+$0x8800] =	vst v18;
	v7 =	vmov v19  }
0x7d: {  	s26 =	sor.u32 s6, s5;
	[tilespmem:s2+$0x0] =	vst v27;
	v18 =	vld.idx.msk [tilespmem:v29+s10+$0x0], $0xffff  }
0x7e: {  	[tilespmem:s31+$0x0] =	vst v20;
	v19 =	vld.idx.msk [tilespmem:v32+s10+$0x0], $0xffff  }
0x7f: {  	v20 =	vor.u32 $0x380, v2;
	v2 =	vmov v16;
	v17 =	vld.idx.msk [tilespmem:v17+s10+$0x0], $0xffff;
	[tilespmem:s1+$0x0] =	vst v23  }
0x80: {  	v21 =	vor.u32 $0x100, v2;
	v16 =	vld.idx.msk [tilespmem:v22+s10+$0x0], $0xffff;
	[tilespmem:s26+$0x0] =	vst v34  }
0x81: {  	v22 =	vor.u32 $0x100, v1;
	v15 =	vld.idx.msk [tilespmem:v15+s10+$0x0], $0xffff;
	[tilespmem:s3+$0x8800] =	vst v28  }
0x82: {  	s3 =	sor.u32 $0x300, s18;
	v23 =	vld.idx.msk [tilespmem:v6+s10+$0x0], $0xffff;
	[tilespmem:s17+$0x8800] =	vst v14;
	v6 =	vmov v30  }
0x83: {  	v14 =	vld.idx.msk [tilespmem:v5+s10+$0x0], $0xffff;
	[tilespmem:s3+$0x8800] =	vst v18;
	v5 =	vmov v31  }
0x84: {  	v25 =	vor.u32 $0x300, v0;
	[tilespmem:s2+$0x80] =	vst v19;
	v27 =	vld.idx.msk [tilespmem:v20+s10+$0x0], $0xffff  }
0x85: {  	[tilespmem:s31+$0x80] =	vst v17;
	v19 =	vld.idx.msk [tilespmem:v21+s10+$0x0], $0xffff  }
.Ltmp2:
0x86: {  	v17 =	vld.idx.msk [tilespmem:v22+s10+$0x0], $0xffff;
	[tilespmem:s1+$0x80] =	vst v16;
	(pc) =	sbr.rel @p2 .LBB2_3-.Ltmp2, $4  }
0x87: {  	v22 =	vor.u32 $0x180, v2;
	v18 =	vld.idx.msk [tilespmem:v24+s10+$0x0], $0xffff;
	[tilespmem:s26+$0x80] =	vst v15  }
0x88: {  	v21 =	vor.u32 $0x180, v1;
	v20 =	vld.idx.msk [tilespmem:v26+s10+$0x0], $0xffff;
	[tilespmem:s14+$0x8800] =	vst v35  }
0x89: {  	s3 =	sor.u32 $0x380, s18;
	v15 =	vld.idx.msk [tilespmem:v25+s10+$0x0], $0xffff;
	[tilespmem:s19+$0x8800] =	vst v23  }
0x8a: {  	s28 =	sadd.s32 $0x40, s28;
	v16 =	vld.idx.msk [tilespmem:v4+s10+$0x0], $0xffff;
	[tilespmem:s3+$0x8800] =	vst v27;
	v4 =	vmov v33  }
0x8b: {  	_ =	sdelay $0x2  }
0x8c: {  	[tilespmem:s2+$0x100] =	vst v19  }
0x8d: {  	v19 =	vld.idx.msk [tilespmem:v22+s10+$0x0], $0xffff;
	[tilespmem:s1+$0x100] =	vst v18  }
0x8e: {  	v53 =	vor.u32 $0x200, v2;
	v13 =	vld.idx.msk [tilespmem:v13+s10+$0x0], $0xffff;
	[tilespmem:s26+$0x100] =	vst v20  }
0x8f: {  	v12 =	vld.idx.msk [tilespmem:v12+s10+$0x0], $0xffff;
	_ =	sdelay $0x1  }
0x90: {  	[tilespmem:s31+$0x100] =	vst v17  }
0x91: {  	p1 =	por !p1, !p1;
	v17 =	vld.idx.msk [tilespmem:v21+s10+$0x0], $0xffff;
	[tilespmem:s2+$0x180] =	vst v19;
	s2 =	simm.s32 $0x1  }
0x92: {  	v54 =	vor.u32 $0x200, v1;
	v18 =	vld.idx.msk [tilespmem:v53+s10+$0x0], $0xffff;
	s2 =	simm.s32 @!p1 $0x0;
	[tilespmem:s1+$0x180] =	vst v13  }
0x93: {  	v55 =	vor.u32 $0x280, v2;
	s25 =	sshll.u32 s2, $0x6;
	v11 =	vld.idx.msk [tilespmem:v11+s10+$0x0], $0xffff;
	[tilespmem:s26+$0x180] =	vst v12  }
0x94: {  	s1 =	sadd.s32 s25, s22;
	v9 =	vld.idx.msk [tilespmem:v9+s10+$0x0], $0xffff  }
0x95: {  	s28 =	sadd.s32 $0x30, s1  }
0x96: {  	[tilespmem:s31+$0x180] =	vst v17;
	s3 =	sadd.s32 $0x10, s1;
	s5 =	sor.u32 $0x200, s28  }
0x97: {  	v56 =	vld.idx.msk [tilespmem:v54+s10+$0x0], $0xffff;
	s6 =	sadd.s32 $0x20, s1;
	s7 =	sor.u32 $0x200, s3;
	[tilespmem:s5+$0x8800] =	vst v18  }
0x98: {  	v57 =	vor.u32 $0x280, v1;
	s31 =	sor.u32 $0x200, s6;
	v13 =	vld.idx.msk [tilespmem:v55+s10+$0x0], $0xffff;
	[tilespmem:s7+$0x8800] =	vst v11  }
0x99: {  	v58 =	vor.u32 $0x300, v2;
	v8 =	vld.idx.msk [tilespmem:v8+s10+$0x0], $0xffff;
	[tilespmem:s31+$0x8800] =	vst v9  }
0x9a: {  	v7 =	vld.idx.msk [tilespmem:v7+s10+$0x0], $0xffff  }
0x9b: {  	[tilespmem:s0+$0x8800] =	vst v14;
	s9 =	sor.u32 $0x200, s1  }
0x9c: {  	s12 =	sor.u32 $0x280, s28;
	[tilespmem:s9+$0x8800] =	vst v56  }
0x9d: {  	v0 =	vor.u32 $0x380, v0;
	s14 =	sor.u32 $0x280, s3;
	v59 =	vld.idx.msk [tilespmem:v57+s10+$0x0], $0xffff;
	[tilespmem:s12+$0x8800] =	vst v13  }
0x9e: {  	v60 =	vor.u32 $0x300, v1;
	s17 =	sor.u32 $0x280, s6;
	v11 =	vld.idx.msk [tilespmem:v58+s10+$0x0], $0xffff;
	[tilespmem:s14+$0x8800] =	vst v8  }
0x9f: {  	v61 =	vor.u32 $0x380, v2;
	v6 =	vld.idx.msk [tilespmem:v6+s10+$0x0], $0xffff;
	[tilespmem:s17+$0x8800] =	vst v7  }
0xa0: {  	[tilespmem:s30+$0x8800] =	vst v15;
	v5 =	vld.idx.msk [tilespmem:v5+s10+$0x0], $0xffff  }
0xa1: {  	v3 =	vld.idx.msk [tilespmem:v3+s10+$0x0], $0xffff;
	[tilespmem:s29+$0x8800] =	vst v16;
	s18 =	sor.u32 $0x280, s1  }
0xa2: {  	v0 =	vld.idx.msk [tilespmem:v0+s10+$0x0], $0xffff;
	s19 =	sor.u32 $0x300, s28;
	[tilespmem:s18+$0x8800] =	vst v59  }
0xa3: {  	s21 =	sor.u32 $0x300, s3;
	v62 =	vld.idx.msk [tilespmem:v60+s10+$0x0], $0xffff;
	[tilespmem:s19+$0x8800] =	vst v11  }
0xa4: {  	v63 =	vor.u32 $0x380, v1;
	s22 =	sor.u32 $0x300, s6;
	v2 =	vld.idx.msk [tilespmem:v61+s10+$0x0], $0xffff;
	[tilespmem:s21+$0x8800] =	vst v6  }
0xa5: {  	v4 =	vld.idx.msk [tilespmem:v4+s10+$0x0], $0xffff;
	[tilespmem:s22+$0x8800] =	vst v5  }
0xa6: {  	[tilespmem:s24+$0x8800] =	vst v3;
	v5 =	vld.idx.msk [tilespmem:v10+s10+$0x0], $0xffff  }
0xa7: {  	s25 =	sor.u32 $0x300, s1;
	[tilespmem:s23+$0x8800] =	vst v0  }
0xa8: {  	s26 =	sor.u32 $0x380, s28;
	[tilespmem:s25+$0x8800] =	vst v62  }
0xa9: {  	s28 =	sor.u32 $0x380, s3;
	v1 =	vld.idx.msk [tilespmem:v63+s10+$0x0], $0xffff;
	[tilespmem:s26+$0x8800] =	vst v2  }
0xaa: {  	p1 =	sne.s32 s20, $0x1F;
	s29 =	sor.u32 $0x380, s6;
	[tilespmem:s28+$0x8800] =	vst v4  }
.Ltmp3:
0xab: {  	[tilespmem:s29+$0x8800] =	vst v5;
	(pc) =	sbr.rel @p1 .LBB2_6-.Ltmp3, $4  }
0xac: {  	s30 =	sshll.u32 s20, $0xC;
	s0 =	rddreg [dreg:$0x4]  }
0xad: {  	s1 =	sor.u32 $0x380, s1;
	s21 =	sor.u32 s0, s30  }
0xae: {  	s31 =	simm.s32 $0x8800;
	[tilespmem:s1+$0x8800] =	vst v1;
	s0 =	sadd.s32 s16, s21  }
0xaf: {  	[hbm4b:s0+s4] =	stream.linear.scatter [tilespmem:s31], [sflag:$0x3], $0x4000, $0x38;
	[tilespmem:$0x10800] =	vst v63  }
.Ltmp4:
0xb0: {  	(pc) =	sbr.rel .LBB2_7-.Ltmp4, $4  }
0xb1: {  	_ = 	snop  }
0xb2: {  	_ =	swait.ge [sflag:s15], $0x4000  }
0xb3: {  	[sflag:s15] =	ssyncset.done $0x0  }
0xb4: {  	[sflag:s15] =	ssyncadd.s32 $0xFFFFC000  }
.LBB2_6:
.Ltmp5:
0xb5: {  	s0 =	sadd.s32 s21, s8;
	(pc) =	sbr.rel @p0 .LBB2_8-.Ltmp5, $4  }
0xb6: {  	[tilespmem:s10], [sflag:$0x1] =	stream.linear.gather [hbm4b:s0+s4], $0x4000, $0x38;
	[tilespmem:$0x10800] =	vst v63  }
0xb7: {  	_ =	swait.ge [sflag:s15], $0x4000  }
0xb8: {  	[sflag:s15] =	ssyncset.done $0x0  }
0xb9: {  	[sflag:s15] =	ssyncadd.s32 $0xFFFFC000  }
.LBB2_7:
0xba: {  	s0 =	simm.s32 $0x4  }
0xbb: {  	_ =	swait.ge [sflag:s0], $0x4000  }
0xbc: {  	[sflag:s0] =	ssyncset.done $0x0  }
0xbd: {  	[sflag:s0] =	ssyncadd.s32 $0xFFFFC000  }
.LBB2_8:
0xbe: {  	s0 =	simm.s32 $0x0  }
0xbf: {  	s1 =	sand.u32 $0x40, s0  }
0xc0: {  	s2 =	sand.u32 $0x780, s0;
	s3 =	sor.u32 $0x30, s1  }
0xc1: {  	s5 =	sor.u32 s3, s2  }
0xc2: {  	v0 =	vld [tilespmem:s5+$0x0]  }
0xc3: {  	v1 =	vld [tilespmem:s0+$0x0];
	s6 =	sor.u32 $0x10, s1  }
0xc4: {  	s7 =	sor.u32 $0x20, s1;
	s23 =	sor.u32 s6, s2  }
0xc5: {  	s2 =	sor.u32 s7, s2;
	v2 =	vld [tilespmem:s23+$0x0]  }
0xc6: {  	v3 =	vld [tilespmem:s2+$0x0]  }
0xc7: {  	v4 =	vshll.u32 v0, $0x3  }
0xc8: {  	v5 =	vshll.u32 v1, $0x3;
	v0 =	vand.u32 $0x7F, v0;
	v4 =	vand.u32 $0xFFFFFC00, v4  }
0xc9: {  	v1 =	vand.u32 $0x7F, v1;
	v6 =	vand.u32 $0xFFFFFC00, v5;
	v5 =	vor.u32 v0, v4  }
0xca: {  	v0 =	vor.u32 v1, v6;
	v1 =	vshll.u32 v2, $0x3  }
0xcb: {  	v4 =	vshll.u32 v3, $0x3;
	v2 =	vand.u32 $0x7F, v2;
	v1 =	vand.u32 $0xFFFFFC00, v1  }
0xcc: {  	v6 =	vand.u32 $0xFFFFFC00, v4;
	v4 =	vor.u32 v2, v1;
	v1 =	vand.u32 $0x7F, v3  }
0xcd: {  	v3 =	vor.u32 v1, v6  }
0xce: {  	v1 =	vld.idx.msk [tilespmem:v5+s11+$0x0], $0xffff  }
0xcf: {  	v6 =	vor.u32 $0x80, v5;
	v2 =	vld.idx.msk [tilespmem:v0+s11+$0x0], $0xffff  }
0xd0: {  	s0 =	sand.u32 $0x3C00, s0;
	v7 =	vor.u32 $0x80, v0  }
0xd1: {  	s0 =	sadd.s32 $0xC800, s0;
	v8 =	vld.idx.msk [tilespmem:v4+s11+$0x0], $0xffff  }
0xd2: {  	s9 =	sor.u32 s3, s0;
	v9 =	vor.u32 $0x80, v4;
	v10 =	vld.idx.msk [tilespmem:v3+s11+$0x0], $0xffff  }
0xd3: {  	s24 =	sor.u32 s1, s0;
	v11 =	vor.u32 $0x80, v3;
	[tilespmem:s9+$0x0] =	vst v1  }
0xd4: {  	[tilespmem:s24+$0x0] =	vst v2;
	v1 =	vld.idx.msk [tilespmem:v6+s11+$0x0], $0xffff  }
0xd5: {  	s6 =	sor.u32 s6, s0;
	v2 =	vld.idx.msk [tilespmem:v7+s11+$0x0], $0xffff;
	v6 =	vor.u32 $0x100, v5  }
0xd6: {  	s25 =	sor.u32 s7, s0;
	v7 =	vor.u32 $0x100, v0;
	[tilespmem:s6+$0x0] =	vst v8  }
0xd7: {  	v8 =	vld.idx.msk [tilespmem:v9+s11+$0x0], $0xffff;
	[tilespmem:s25+$0x0] =	vst v10  }
0xd8: {  	v9 =	vor.u32 $0x100, v4;
	v10 =	vld.idx.msk [tilespmem:v11+s11+$0x0], $0xffff  }
0xd9: {  	v11 =	vor.u32 $0x100, v3;
	[tilespmem:s9+$0x80] =	vst v1  }
0xda: {  	[tilespmem:s24+$0x80] =	vst v2;
	v1 =	vld.idx.msk [tilespmem:v6+s11+$0x0], $0xffff  }
0xdb: {  	v2 =	vld.idx.msk [tilespmem:v7+s11+$0x0], $0xffff;
	v6 =	vor.u32 $0x180, v5  }
0xdc: {  	v7 =	vor.u32 $0x180, v0;
	[tilespmem:s6+$0x80] =	vst v8  }
0xdd: {  	v8 =	vld.idx.msk [tilespmem:v9+s11+$0x0], $0xffff;
	[tilespmem:s25+$0x80] =	vst v10  }
0xde: {  	s22 =	simm.s32 $0x40;
	v9 =	vor.u32 $0x180, v4;
	v10 =	vld.idx.msk [tilespmem:v11+s11+$0x0], $0xffff  }
0xdf: {  	s0 =	sand.u32 $0x40, s22;
	v11 =	vld [tilespmem:s22+$0x0];
	[tilespmem:s9+$0x100] =	vst v1  }
0xe0: {  	s26 =	sand.u32 $0x780, s22;
	s2 =	sor.u32 $0x30, s0;
	[tilespmem:s24+$0x100] =	vst v2;
	v1 =	vld.idx.msk [tilespmem:v6+s11+$0x0], $0xffff  }
0xe1: {  	s12 =	sor.u32 s2, s26;
	v2 =	vor.u32 $0x180, v3;
	v6 =	vld.idx.msk [tilespmem:v7+s11+$0x0], $0xffff  }
0xe2: {  	s1 =	sor.u32 $0x10, s0;
	v7 =	vor.u32 $0x200, v5;
	[tilespmem:s6+$0x100] =	vst v8;
	v8 =	vld [tilespmem:s12+$0x0]  }
0xe3: {  	s14 =	sor.u32 s1, s26;
	s12 =	sor.u32 $0x20, s0;
	v9 =	vld.idx.msk [tilespmem:v9+s11+$0x0], $0xffff  }
0xe4: {  	v13 =	vld [tilespmem:s14+$0x0];
	v12 =	vor.u32 $0x200, v4;
	s7 =	sor.u32 s12, s26;
	v14 =	vshll.u32 v11, $0x3  }
0xe5: {  	[tilespmem:s25+$0x100] =	vst v10;
	v10 =	vor.u32 $0x200, v0;
	v11 =	vand.u32 $0x7F, v11;
	v15 =	vld [tilespmem:s7+$0x0];
	v14 =	vand.u32 $0xFFFFFC00, v14  }
0xe6: {  	p0 =	por $0x0, $0x0;
	s7 =	simm.s32 $0x1;
	v16 =	vld.idx.msk [tilespmem:v2+s11+$0x0], $0xffff;
	[tilespmem:s9+$0x180] =	vst v1;
	v1 =	vor.u32 v11, v14  }
0xe7: {  	s7 =	simm.s32 @!p0 $0x0;
	v11 =	vor.u32 $0x200, v3;
	v7 =	vld.idx.msk [tilespmem:v7+s11+$0x0], $0xffff;
	v2 =	vshll.u32 v8, $0x3  }
0xe8: {  	s16 =	sshll.u32 s7, $0x6;
	v8 =	vand.u32 $0x7F, v8;
	[tilespmem:s6+$0x180] =	vst v9;
	v2 =	vand.u32 $0xFFFFFC00, v2;
	v9 =	vor.u32 $0x280, v5  }
0xe9: {  	v14 =	vor.u32 $0x280, v4;
	[tilespmem:s24+$0x180] =	vst v6;
	s6 =	sadd.s32 $0x0, s16;
	v6 =	vld.idx.msk [tilespmem:v12+s11+$0x0], $0xffff;
	v12 =	vshll.u32 v13, $0x3;
	v2 =	vor.u32 v8, v2  }
0xea: {  	v8 =	vld.idx.msk [tilespmem:v10+s11+$0x0], $0xffff;
	v10 =	vshll.u32 v15, $0x3;
	v13 =	vand.u32 $0x7F, v13;
	s9 =	sadd.s32 $0x30, s6;
	v12 =	vand.u32 $0xFFFFFC00, v12  }
0xeb: {  	v10 =	vand.u32 $0xFFFFFC00, v10;
	[tilespmem:s25+$0x180] =	vst v16;
	s17 =	sor.u32 $0x200, s9;
	v17 =	vld.idx.msk [tilespmem:v1+s11+$0x0], $0xffff;
	v21 =	vor.u32 v13, v12;
	v12 =	vand.u32 $0x7F, v15  }
0xec: {  	s14 =	sadd.s32 $0x10, s6;
	v11 =	vld.idx.msk [tilespmem:v11+s11+$0x0], $0xffff;
	v10 =	vor.u32 v12, v10;
	[tilespmem:s17+$0xC800] =	vst v7  }
0xed: {  	s18 =	sor.u32 $0x200, s14;
	v7 =	vor.u32 $0x280, v0;
	v9 =	vld.idx.msk [tilespmem:v9+s11+$0x0], $0xffff  }
0xee: {  	s23 =	simm.s32 $0x200;
	s19 =	sor.u32 $0x200, s6;
	v12 =	vor.u32 $0x280, v3;
	v13 =	vld.idx.msk [tilespmem:v2+s11+$0x0], $0xffff;
	[tilespmem:s18+$0xC800] =	vst v6  }
0xef: {  	s25 =	sand.u32 $0x3C00, s23;
	s17 =	sadd.s32 $0x20, s6;
	[tilespmem:s19+$0xC800] =	vst v8;
	v8 =	vor.u32 $0x80, v1;
	v6 =	vld.idx.msk [tilespmem:v14+s11+$0x0], $0xffff  }
0xf0: {  	s3 =	sadd.s32 $0xC800, s25;
	s24 =	sor.u32 $0x200, s17;
	v14 =	vor.u32 $0x300, v5;
	v15 =	vld.idx.msk [tilespmem:v21+s11+$0x0], $0xffff  }
0xf1: {  	v16 =	vor.u32 $0x80, v2;
	s0 =	sor.u32 s0, s3;
	[tilespmem:s24+$0xC800] =	vst v11;
	v18 =	vld.idx.msk [tilespmem:v10+s11+$0x0], $0xffff  }
0xf2: {  	s26 =	sor.u32 $0x280, s9;
	v19 =	vor.u32 $0x80, v21;
	[tilespmem:s0+$0x0] =	vst v17;
	v22 =	vld.idx.msk [tilespmem:v7+s11+$0x0], $0xffff  }
0xf3: {  	s7 =	sor.u32 s2, s3;
	v7 =	vor.u32 $0x80, v10;
	v11 =	vld.idx.msk [tilespmem:v12+s11+$0x0], $0xffff;
	[tilespmem:s26+$0xC800] =	vst v9  }
0xf4: {  	s2 =	sor.u32 s1, s3;
	s28 =	sor.u32 s12, s3;
	s3 =	sor.u32 $0x280, s14;
	v9 =	vor.u32 $0x300, v4;
	[tilespmem:s7+$0x0] =	vst v13;
	v8 =	vld.idx.msk [tilespmem:v8+s11+$0x0], $0xffff  }
0xf5: {  	v13 =	vor.u32 $0x300, v3;
	v12 =	vld.idx.msk [tilespmem:v14+s11+$0x0], $0xffff;
	[tilespmem:s3+$0xC800] =	vst v6  }
0xf6: {  	v5 =	vor.u32 $0x380, v5;
	v16 =	vld.idx.msk [tilespmem:v16+s11+$0x0], $0xffff;
	[tilespmem:s2+$0x0] =	vst v15  }
0xf7: {  	s5 =	sor.u32 $0x280, s17;
	v17 =	vor.u32 $0x100, v2;
	v15 =	vld.idx.msk [tilespmem:v19+s11+$0x0], $0xffff;
	[tilespmem:s28+$0x0] =	vst v18  }
0xf8: {  	s16 =	sor.u32 $0x280, s6;
	v18 =	vor.u32 $0x100, v1;
	[tilespmem:s5+$0xC800] =	vst v11;
	v7 =	vld.idx.msk [tilespmem:v7+s11+$0x0], $0xffff  }
0xf9: {  	s12 =	sor.u32 $0x300, s9;
	v6 =	vor.u32 $0x100, v21;
	[tilespmem:s16+$0xC800] =	vst v22;
	v23 =	vld.idx.msk [tilespmem:v9+s11+$0x0], $0xffff  }
0xfa: {  	v20 =	vor.u32 $0x100, v10;
	v14 =	vld.idx.msk [tilespmem:v13+s11+$0x0], $0xffff;
	[tilespmem:s12+$0xC800] =	vst v12  }
0xfb: {  	[tilespmem:s7+$0x80] =	vst v16;
	v16 =	vor.u32 $0x300, v0;
	v24 =	vld.idx.msk [tilespmem:v5+s11+$0x0], $0xffff  }
0xfc: {  	v25 =	vor.u32 $0x380, v4;
	[tilespmem:s0+$0x80] =	vst v8;
	v19 =	vld.idx.msk [tilespmem:v17+s11+$0x0], $0xffff  }
0xfd: {  	v4 =	vor.u32 $0x380, v21;
	v17 =	vld.idx.msk [tilespmem:v18+s11+$0x0], $0xffff;
	[tilespmem:s2+$0x80] =	vst v15  }
0xfe: {  	v11 =	vor.u32 $0x200, v21;
	v22 =	vor.u32 $0x180, v2;
	v13 =	vor.u32 $0x180, v21;
	v18 =	vld.idx.msk [tilespmem:v6+s11+$0x0], $0xffff;
	[tilespmem:s28+$0x80] =	vst v7  }
0xff: {  	s29 =	simm.s32 $0x80;
	s31 =	sor.u32 $0x300, s6;
	s18 =	sor.u32 $0x300, s14;
	v8 =	vor.u32 $0x280, v21;
	v6 =	vor.u32 $0x300, v21;
	v21 =	vor.u32 $0x180, v1;
	v20 =	vld.idx.msk [tilespmem:v20+s11+$0x0], $0xffff  }
0x100: {  	s30 =	sor.u32 $0x380, s14;
	s1 =	sor.u32 $0x300, s17;
	s19 =	sor.u32 $0x380, s9;
	v3 =	vor.u32 $0x380, v3;
	v9 =	vor.u32 $0x200, v10;
	v12 =	vor.u32 $0x180, v10;
	[tilespmem:s18+$0xC800] =	vst v23;
	v15 =	vld.idx.msk [tilespmem:v16+s11+$0x0], $0xffff  }
0x101: {  	s25 =	sor.u32 $0x380, s17;
	s24 =	sor.u32 $0x380, s6;
	s26 =	simm.s32 $0x4;
	v5 =	vor.u32 $0x300, v10;
	v7 =	vor.u32 $0x280, v10;
	v10 =	vor.u32 $0x380, v10;
	v16 =	vld.idx.msk [tilespmem:v25+s11+$0x0], $0xffff;
	[tilespmem:s19+$0xC800] =	vst v24  }
.LBB2_9:
0x102: {  	v23 =	vld [tilespmem:s29+$0x0];
	[tilespmem:s7+$0x100] =	vst v19;
	s22 =	sadd.s32 $0x40, s22  }
0x103: {  	s26 =	sadd.s32 $0x4, s26;
	s9 =	sand.u32 $0x40, s22;
	[tilespmem:s0+$0x100] =	vst v17;
	v17 =	vld.idx.msk [tilespmem:v22+s11+$0x0], $0xffff  }
0x104: {  	s3 =	sand.u32 $0x780, s22;
	p1 =	slt.u32 s26, $0x7C;
	s6 =	sor.u32 $0x30, s9;
	v19 =	vld.idx.msk [tilespmem:v21+s11+$0x0], $0xffff;
	[tilespmem:s2+$0x100] =	vst v18  }
0x105: {  	s18 =	sor.u32 $0x10, s9;
	s12 =	sor.u32 $0x20, s9;
	v18 =	vor.u32 $0x200, v2;
	s5 =	sor.u32 s6, s3;
	v13 =	vld.idx.msk [tilespmem:v13+s11+$0x0], $0xffff;
	[tilespmem:s28+$0x100] =	vst v20  }
0x106: {  	v21 =	vor.u32 $0x200, v1;
	s14 =	sor.u32 s18, s3;
	s3 =	sor.u32 s12, s3;
	v20 =	vld [tilespmem:s5+$0x0];
	[tilespmem:s1+$0xC800] =	vst v14  }
0x107: {  	v14 =	vld [tilespmem:s14+$0x0];
	[tilespmem:s31+$0xC800] =	vst v15  }
0x108: {  	v15 =	vshll.u32 v23, $0x3;
	v22 =	vld [tilespmem:s3+$0x0];
	[tilespmem:s30+$0xC800] =	vst v16  }
0x109: {  	v16 =	vand.u32 $0x7F, v23;
	v15 =	vand.u32 $0xFFFFFC00, v15;
	v12 =	vld.idx.msk [tilespmem:v12+s11+$0x0], $0xffff;
	[tilespmem:s7+$0x180] =	vst v17;
	v17 =	vor.u32 $0x380, v0;
	v0 =	vmovc v1  }
0x10a: {  	p0 =	por !p0, !p0;
	v1 =	vor.u32 v16, v15;
	[tilespmem:s0+$0x180] =	vst v19;
	v15 =	vld.idx.msk [tilespmem:v18+s11+$0x0], $0xffff;
	s0 =	simm.s32 $0x1  }
0x10b: {  	v16 =	vshll.u32 v20, $0x3;
	s0 =	simm.s32 @!p0 $0x0;
	v18 =	vld.idx.msk [tilespmem:v21+s11+$0x0], $0xffff;
	[tilespmem:s2+$0x180] =	vst v13  }
0x10c: {  	v13 =	vand.u32 $0x7F, v20;
	v16 =	vand.u32 $0xFFFFFC00, v16;
	s0 =	sshll.u32 s0, $0x6;
	v19 =	vld.idx.msk [tilespmem:v11+s11+$0x0], $0xffff;
	v11 =	vor.u32 $0x280, v2  }
0x10d: {  	v20 =	vshll.u32 v14, $0x3;
	v21 =	vshll.u32 v22, $0x3;
	v16 =	vor.u32 v13, v16;
	s0 =	sadd.s32 s0, s23;
	v23 =	vld.idx.msk [tilespmem:v3+s11+$0x0], $0xffff;
	v3 =	vmovc v10  }
0x10e: {  	v10 =	vand.u32 $0x7F, v14;
	v13 =	vand.u32 $0xFFFFFC00, v20;
	v14 =	vand.u32 $0xFFFFFC00, v21;
	s2 =	sadd.s32 $0x10, s0;
	s7 =	sadd.s32 $0x20, s0;
	s19 =	sadd.s32 $0x30, s0;
	v17 =	vld.idx.msk [tilespmem:v17+s11+$0x0], $0xffff  }
0x10f: {  	v10 =	vor.u32 v10, v13;
	v13 =	vand.u32 $0x7F, v22;
	v21 =	vor.u32 $0x280, v0;
	v20 =	vld.idx.msk [tilespmem:v1+s11+$0x0], $0xffff;
	s30 =	sor.u32 $0x200, s2;
	[tilespmem:s28+$0x180] =	vst v12;
	s28 =	sor.u32 $0x200, s7;
	s1 =	sor.u32 $0x200, s19  }
0x110: {  	s14 =	sor.u32 $0x200, s0;
	v22 =	vor.u32 $0x80, v10;
	v24 =	vor.u32 $0x100, v10;
	v14 =	vor.u32 v13, v14;
	s5 =	sor.u32 $0x280, s2;
	s3 =	sor.u32 $0x280, s7;
	v25 =	vld.idx.msk [tilespmem:v9+s11+$0x0], $0xffff;
	[tilespmem:s1+$0xC800] =	vst v15  }
0x111: {  	s17 =	sor.u32 $0x280, s0;
	v13 =	vor.u32 $0x180, v10;
	v15 =	vor.u32 $0x80, v14;
	v26 =	vor.u32 $0x100, v14;
	s1 =	sor.u32 $0x300, s7;
	[tilespmem:s14+$0xC800] =	vst v18;
	s14 =	sor.u32 $0x300, s2;
	v18 =	vld.idx.msk [tilespmem:v11+s11+$0x0], $0xffff  }
0x112: {  	s31 =	sor.u32 $0x300, s0;
	v12 =	vor.u32 $0x180, v14;
	v9 =	vor.u32 $0x200, v14;
	v11 =	vor.u32 $0x200, v10;
	v27 =	vld.idx.msk [tilespmem:v16+s11+$0x0], $0xffff;
	[tilespmem:s30+$0xC800] =	vst v19;
	s30 =	sor.u32 $0x380, s2;
	s2 =	sor.u32 $0x380, s7  }
0x113: {  	v29 =	vor.u32 $0x300, v2;
	s0 =	sor.u32 $0x380, s0;
	v19 =	vor.u32 $0x280, v14;
	v28 =	vld.idx.msk [tilespmem:v8+s11+$0x0], $0xffff;
	v8 =	vor.u32 $0x280, v10;
	[tilespmem:s25+$0xC800] =	vst v23;
	s25 =	smov.u32 s2  }
0x114: {  	s23 =	sadd.s32 $0x200, s23;
	v32 =	vor.u32 $0x80, v16;
	v30 =	vor.u32 $0x300, v10;
	v31 =	vor.u32 $0x300, v14;
	v23 =	vld.idx.msk [tilespmem:v10+s11+$0x0], $0xffff;
	[tilespmem:s24+$0xC800] =	vst v17;
	s24 =	smov.u32 s0  }
0x115: {  	v33 =	vor.u32 $0x380, v10;
	s0 =	sand.u32 $0x3C00, s23;
	v17 =	vor.u32 $0x80, v1;
	v10 =	vor.u32 $0x380, v14;
	v34 =	vld.idx.msk [tilespmem:v14+s11+$0x0], $0xffff  }
0x116: {  	s16 =	sadd.s32 $0xC800, s0;
	v35 =	vld.idx.msk [tilespmem:v21+s11+$0x0], $0xffff;
	[tilespmem:s28+$0xC800] =	vst v25;
	s28 =	sor.u32 $0x280, s19  }
0x117: {  	s0 =	sor.u32 s9, s16;
	s2 =	sor.u32 s18, s16;
	s7 =	sor.u32 s6, s16;
	v14 =	vld.idx.msk [tilespmem:v7+s11+$0x0], $0xffff;
	[tilespmem:s28+$0xC800] =	vst v18;
	v7 =	vmov v19  }
0x118: {  	s28 =	sor.u32 s12, s16;
	[tilespmem:s7+$0x0] =	vst v27;
	v18 =	vld.idx.msk [tilespmem:v29+s11+$0x0], $0xffff  }
0x119: {  	[tilespmem:s0+$0x0] =	vst v20;
	v19 =	vld.idx.msk [tilespmem:v32+s11+$0x0], $0xffff  }
0x11a: {  	v20 =	vor.u32 $0x380, v2;
	v2 =	vmov v16;
	v17 =	vld.idx.msk [tilespmem:v17+s11+$0x0], $0xffff;
	[tilespmem:s2+$0x0] =	vst v23  }
0x11b: {  	v21 =	vor.u32 $0x100, v2;
	v16 =	vld.idx.msk [tilespmem:v22+s11+$0x0], $0xffff;
	[tilespmem:s28+$0x0] =	vst v34  }
0x11c: {  	v22 =	vor.u32 $0x100, v1;
	v15 =	vld.idx.msk [tilespmem:v15+s11+$0x0], $0xffff;
	[tilespmem:s5+$0xC800] =	vst v28  }
0x11d: {  	v23 =	vld.idx.msk [tilespmem:v6+s11+$0x0], $0xffff;
	[tilespmem:s3+$0xC800] =	vst v14;
	s3 =	sor.u32 $0x300, s19;
	v6 =	vmov v30  }
0x11e: {  	v14 =	vld.idx.msk [tilespmem:v5+s11+$0x0], $0xffff;
	[tilespmem:s3+$0xC800] =	vst v18;
	v5 =	vmov v31  }
0x11f: {  	v25 =	vor.u32 $0x300, v0;
	[tilespmem:s7+$0x80] =	vst v19;
	v27 =	vld.idx.msk [tilespmem:v20+s11+$0x0], $0xffff  }
0x120: {  	[tilespmem:s0+$0x80] =	vst v17;
	v19 =	vld.idx.msk [tilespmem:v21+s11+$0x0], $0xffff  }
.Ltmp6:
0x121: {  	v17 =	vld.idx.msk [tilespmem:v22+s11+$0x0], $0xffff;
	[tilespmem:s2+$0x80] =	vst v16;
	(pc) =	sbr.rel @p1 .LBB2_9-.Ltmp6, $4  }
0x122: {  	v22 =	vor.u32 $0x180, v2;
	v18 =	vld.idx.msk [tilespmem:v24+s11+$0x0], $0xffff;
	[tilespmem:s28+$0x80] =	vst v15  }
0x123: {  	v21 =	vor.u32 $0x180, v1;
	v20 =	vld.idx.msk [tilespmem:v26+s11+$0x0], $0xffff;
	[tilespmem:s17+$0xC800] =	vst v35  }
0x124: {  	s3 =	sor.u32 $0x380, s19;
	v15 =	vld.idx.msk [tilespmem:v25+s11+$0x0], $0xffff;
	[tilespmem:s14+$0xC800] =	vst v23  }
0x125: {  	s29 =	sadd.s32 $0x40, s29;
	v16 =	vld.idx.msk [tilespmem:v4+s11+$0x0], $0xffff;
	[tilespmem:s3+$0xC800] =	vst v27;
	v4 =	vmov v33  }
0x126: {  	_ =	sdelay $0x2  }
0x127: {  	[tilespmem:s7+$0x100] =	vst v19  }
0x128: {  	[tilespmem:s0+$0x100] =	vst v17;
	v19 =	vld.idx.msk [tilespmem:v22+s11+$0x0], $0xffff  }
0x129: {  	v53 =	vor.u32 $0x200, v2;
	[tilespmem:s2+$0x100] =	vst v18;
	v17 =	vld.idx.msk [tilespmem:v21+s11+$0x0], $0xffff  }
0x12a: {  	v54 =	vor.u32 $0x200, v1;
	v13 =	vld.idx.msk [tilespmem:v13+s11+$0x0], $0xffff;
	[tilespmem:s28+$0x100] =	vst v20  }
0x12b: {  	v12 =	vld.idx.msk [tilespmem:v12+s11+$0x0], $0xffff;
	_ =	sdelay $0x1  }
0x12c: {  	p0 =	por !p0, !p0;
	s3 =	simm.s32 $0x1;
	[tilespmem:s7+$0x180] =	vst v19  }
0x12d: {  	s3 =	simm.s32 @!p0 $0x0;
	[tilespmem:s0+$0x180] =	vst v17;
	v18 =	vld.idx.msk [tilespmem:v53+s11+$0x0], $0xffff  }
0x12e: {  	v55 =	vor.u32 $0x280, v2;
	s22 =	sshll.u32 s3, $0x6;
	[tilespmem:s2+$0x180] =	vst v13;
	v56 =	vld.idx.msk [tilespmem:v54+s11+$0x0], $0xffff  }
0x12f: {  	v57 =	vor.u32 $0x280, v1;
	s0 =	sadd.s32 s22, s23;
	v11 =	vld.idx.msk [tilespmem:v11+s11+$0x0], $0xffff;
	[tilespmem:s28+$0x180] =	vst v12  }
0x130: {  	s2 =	sadd.s32 $0x30, s0;
	v9 =	vld.idx.msk [tilespmem:v9+s11+$0x0], $0xffff  }
0x131: {  	s5 =	sor.u32 $0x200, s2  }
0x132: {  	s26 =	sadd.s32 $0x10, s0;
	s9 =	sor.u32 $0x200, s0;
	[tilespmem:s5+$0xC800] =	vst v18  }
0x133: {  	s6 =	sadd.s32 $0x20, s0;
	s28 =	sor.u32 $0x200, s26;
	[tilespmem:s9+$0xC800] =	vst v56;
	v13 =	vld.idx.msk [tilespmem:v55+s11+$0x0], $0xffff  }
0x134: {  	v58 =	vor.u32 $0x300, v2;
	s29 =	sor.u32 $0x200, s6;
	[tilespmem:s28+$0xC800] =	vst v11;
	v59 =	vld.idx.msk [tilespmem:v57+s11+$0x0], $0xffff  }
0x135: {  	v60 =	vor.u32 $0x300, v1;
	v8 =	vld.idx.msk [tilespmem:v8+s11+$0x0], $0xffff;
	[tilespmem:s29+$0xC800] =	vst v9  }
0x136: {  	v7 =	vld.idx.msk [tilespmem:v7+s11+$0x0], $0xffff  }
0x137: {  	[tilespmem:s1+$0xC800] =	vst v14;
	s12 =	sor.u32 $0x280, s2  }
0x138: {  	s17 =	sor.u32 $0x280, s0;
	[tilespmem:s12+$0xC800] =	vst v13  }
0x139: {  	v0 =	vor.u32 $0x380, v0;
	s14 =	sor.u32 $0x280, s26;
	[tilespmem:s17+$0xC800] =	vst v59;
	v11 =	vld.idx.msk [tilespmem:v58+s11+$0x0], $0xffff  }
0x13a: {  	v61 =	vor.u32 $0x380, v2;
	s16 =	sor.u32 $0x280, s6;
	[tilespmem:s14+$0xC800] =	vst v8;
	v62 =	vld.idx.msk [tilespmem:v60+s11+$0x0], $0xffff  }
0x13b: {  	v63 =	vor.u32 $0x380, v1;
	v6 =	vld.idx.msk [tilespmem:v6+s11+$0x0], $0xffff;
	[tilespmem:s16+$0xC800] =	vst v7  }
0x13c: {  	[tilespmem:s31+$0xC800] =	vst v15;
	v5 =	vld.idx.msk [tilespmem:v5+s11+$0x0], $0xffff  }
0x13d: {  	v3 =	vld.idx.msk [tilespmem:v3+s11+$0x0], $0xffff;
	[tilespmem:s30+$0xC800] =	vst v16;
	s18 =	sor.u32 $0x300, s2  }
0x13e: {  	v0 =	vld.idx.msk [tilespmem:v0+s11+$0x0], $0xffff;
	s23 =	sor.u32 $0x300, s0;
	[tilespmem:s18+$0xC800] =	vst v11  }
0x13f: {  	s19 =	sor.u32 $0x300, s26;
	[tilespmem:s23+$0xC800] =	vst v62;
	v2 =	vld.idx.msk [tilespmem:v61+s11+$0x0], $0xffff  }
0x140: {  	s22 =	sor.u32 $0x300, s6;
	[tilespmem:s19+$0xC800] =	vst v6;
	v1 =	vld.idx.msk [tilespmem:v63+s11+$0x0], $0xffff  }
0x141: {  	v4 =	vld.idx.msk [tilespmem:v4+s11+$0x0], $0xffff;
	[tilespmem:s22+$0xC800] =	vst v5  }
0x142: {  	[tilespmem:s25+$0xC800] =	vst v3;
	v5 =	vld.idx.msk [tilespmem:v10+s11+$0x0], $0xffff  }
0x143: {  	p0 =	seq.s32 s20, $0x1F;
	s25 =	sor.u32 $0x380, s2;
	[tilespmem:s24+$0xC800] =	vst v0  }
.Ltmp7:
0x144: {  	s29 =	sor.u32 $0x380, s0;
	[tilespmem:s25+$0xC800] =	vst v2;
	(pc) =	sbr.rel @p0 .LBB2_12-.Ltmp7, $4  }
0x145: {  	s26 =	sor.u32 $0x380, s26;
	[tilespmem:s29+$0xC800] =	vst v1  }
0x146: {  	s28 =	sor.u32 $0x380, s6;
	s0 =	sor.u32 $0x800, s21;
	s16 =	rddreg [dreg:$0x2];
	[tilespmem:s26+$0xC800] =	vst v4  }
0x147: {  	s31 =	simm.s32 $0xC800;
	s30 =	sadd.s32 s16, s0;
	[tilespmem:s28+$0xC800] =	vst v5  }
0x148: {  	[hbm4b:s30+s4] =	stream.linear.scatter [tilespmem:s31], [sflag:$0x4], $0x4000, $0x38;
	[tilespmem:$0x10800] =	vst v63  }
.Ltmp8:
0x149: {  	(pc) =	sbr.rel .LBB2_2-.Ltmp8, $3  }
0x14a: {  	_ =	sdelay $0x1  }
0x14b: {  	s0 =	sadd.s32 s0, s8;
	s20 =	sadd.s32 $0x1, s20  }
0x14c: {  	[tilespmem:s11], [sflag:$0x2] =	stream.linear.gather [hbm4b:s0+s4], $0x4000, $0x38;
	[tilespmem:$0x10800] =	vst v63  }
.LBB2_13:
0x14d: {  	_ =	sfence.sel $0x180000  }
0x14e: {  	[bflag:$0x0] =	sbarrier.arrive $0xFFFF  }
0x14f: {  	_ =	strace $0x90000047  }
0x150: {  	s0 =	stileid.u32;
	[bflag:$0x2] =	sbarrier.arrive $0xFFFF  }
0x151: {  	p0 =	sne.s32 s0, $0x0;
	s0 =	rddreg [dreg:$0x3]  }
0x152: {  	s0 =	sadd.s32 @!p0 $0x100000, s0  }
0x153: {  	[sflag:s0] =	ssyncadd.tile.s32 @!p0 $0x1;
	_ =	shalt  }
.Lfunc_end2:
_tile_overlayer_lowered:
.L_overlay_start_2:
0x154: {  	(tag) =	ssettag $0x2  }
0x155: {  	s0 =	rddreg [dreg:$0x0];
	s2 =	stileid.u32  }
0x156: {  	s1 =	rddreg [dreg:$0x1];
	p0 =	sne.s32 s2, $0x0  }
0x157: {  	s3 =	rddreg [dreg:$0x2];
	[bflag:$0x3] =	sbarrier.arrive $0xFFFF;
	s2 =	simm.s32 @!p0 $0x1C05  }
0x158: {  	[timem:s3], [sflag:s2] =	dma.local @!p0 [hbm:s0], s1  }
0x159: {  	s0 =	simm.s32 @!p0 $0x5  }
0x15a: {  	_ =	swait.ge @!p0 [sflag:s0], s1  }
0x15b: {  	s1 =	ssub.s32 @!p0 $0x0, s1;
	[sflag:s0] =	ssyncset.done @!p0 $0x0  }
0x15c: {  	[sflag:s0] =	ssyncadd.s32 @!p0 s1  }
0x15d: {  	[bflag:$0x3] =	sbarrier.arrive $0xFFFF  }
0x15e: {  	_ =	shalt  }

</sc_bundles>
